<compile_context>
chip_gen: v7x
topology: tpu7x:2x2x1
jax: 0.10.2.dev20260603
libtpu: 0.0.44.dev20260713+nightly
codegen_flags: <defaults>
</compile_context>

<pallas_src>
import functools

import jax
import jax.numpy as jnp
from jax import lax
from jax.experimental import pallas as pl
from jax.experimental.pallas import tpu as pltpu
from jax.experimental.pallas import tpu_sc as plsc

N = 10000
E = 320000
D = 128
NC = 2
NS = 16
NW = NC * NS
EPW = E // NW
CH = 80
NIT = EPW // CH
KB = 5
ZCS = 80
ZCH = 200
NCHK = N // ZCH
KMAX = -(-NCHK // NS)
DW = 128
DWO = 16


def _sc_degree(col, ones, zeros):
    mesh = plsc.VectorSubcoreMesh(core_axis_name="c", subcore_axis_name="s", num_cores=NC, num_subcores=NS)

    @functools.partial(
        pl.kernel,
        out_type=jax.ShapeDtypeStruct((NC, N, DW), jnp.float32),
        mesh=mesh,
        scratch_types=[
            pltpu.VMEM((KB, CH), jnp.int32),
            pltpu.VMEM((CH, DW), jnp.float32),
            pltpu.VMEM((ZCH, DW), jnp.float32),
            pltpu.VMEM_SHARED((N, DW), jnp.float32),
            pltpu.SemaphoreType.DMA,
        ],
    )
    def deg_kernel(col_hbm, ones_hbm, zeros_hbm, out_hbm,
                   idx_v, ones_v, zbuf_v, deg_sh, fsem):
        c = lax.axis_index("c")
        s = lax.axis_index("s")
        wid = s * NC + c

        pltpu.sync_copy(ones_hbm, ones_v)
        pltpu.sync_copy(zeros_hbm, zbuf_v)

        def zchunk(k, _):
            ci = s + NS * k

            @pl.when(ci < NCHK)
            def _():
                pltpu.sync_copy(zbuf_v, deg_sh.at[pl.ds(ZCH * ci, ZCH)])

            return 0

        lax.fori_loop(0, KMAX, zchunk, 0)
        plsc.subcore_barrier()

        def edge(g, _):
            pltpu.sync_copy(col_hbm.at[wid, g], idx_v)
            cps = [pltpu.make_async_copy(ones_v, deg_sh.at[idx_v.at[j]], fsem)
                   for j in range(KB)]
            for cp in cps:
                cp.start(add=True)
            for cp in cps:
                cp.wait()
            return 0

        lax.fori_loop(0, NIT // KB, edge, 0)
        plsc.subcore_barrier()

        def cout(k, _):
            ci = s + NS * k

            @pl.when(ci < NCHK)
            def _():
                r = ZCH * ci
                pltpu.sync_copy(deg_sh.at[pl.ds(r, ZCH)],
                                out_hbm.at[c, pl.ds(r, ZCH)])

            return 0

        lax.fori_loop(0, KMAX, cout, 0)

    col4 = jnp.reshape(col, (NW, NIT // KB, KB, CH))
    return deg_kernel(col4, ones, zeros)


def _sc_scatter(y, row, col, zeros):
    mesh = plsc.VectorSubcoreMesh(core_axis_name="c", subcore_axis_name="s", num_cores=NC, num_subcores=NS)

    @functools.partial(
        pl.kernel,
        out_type=jax.ShapeDtypeStruct((NC, N, D), jnp.float32),
        mesh=mesh,
        scratch_types=[
            pltpu.VMEM((KB, CH), jnp.int32),
            pltpu.VMEM((KB, CH), jnp.int32),
            pltpu.VMEM((2, CH, D), jnp.float32),
            pltpu.VMEM((ZCS, D), jnp.float32),
            pltpu.VMEM_SHARED((N, D), jnp.float32),
            pltpu.SemaphoreType.DMA,
            pltpu.SemaphoreType.DMA,
        ],
    )
    def scat_kernel(y_hbm, row_hbm, col_hbm, zeros_hbm, out_hbm,
                    ridx_v, cidx_v, rows_v, zbuf_v, acc_sh, gsem, ssem):
        c = lax.axis_index("c")
        s = lax.axis_index("s")
        wid = s * NC + c

        pltpu.sync_copy(zeros_hbm, zbuf_v)

        def zchunk(k, _):
            ci = s + NS * k

            @pl.when(ci < N // ZCS)
            def _():
                pltpu.sync_copy(zbuf_v, acc_sh.at[pl.ds(ZCS * ci, ZCS)])

            return 0

        lax.fori_loop(0, -(-(N // ZCS) // NS), zchunk, 0)
        plsc.subcore_barrier()

        def edge(g, _):
            pltpu.sync_copy(row_hbm.at[wid, g], ridx_v)
            pltpu.sync_copy(col_hbm.at[wid, g], cidx_v)
            gcps = [pltpu.make_async_copy(y_hbm.at[ridx_v.at[j]],
                                          rows_v.at[j % 2], gsem)
                    for j in range(KB)]
            scps = [pltpu.make_async_copy(rows_v.at[j % 2],
                                          acc_sh.at[cidx_v.at[j]], ssem)
                    for j in range(KB)]
            gcps[0].start()
            gcps[1].start()
            for j in range(KB):
                gcps[j].wait()
                scps[j].start(add=True)
                if j + 2 < KB:
                    gcps[j + 2].start()
            for cp in scps:
                cp.wait()
            return 0

        lax.fori_loop(0, NIT // KB, edge, 0)
        plsc.subcore_barrier()

        def cout(k, _):
            ci = s + NS * k

            @pl.when(ci < NCHK)
            def _():
                r = ZCH * ci
                pltpu.sync_copy(acc_sh.at[pl.ds(r, ZCH)],
                                out_hbm.at[c, pl.ds(r, ZCH)])

            return 0

        lax.fori_loop(0, KMAX, cout, 0)

    row4 = jnp.reshape(row, (NW, NIT // KB, KB, CH))
    col4 = jnp.reshape(col, (NW, NIT // KB, KB, CH))
    return scat_kernel(y, row4, col4, zeros[:ZCS])


_GRID = 10
_B = N // _GRID


def _dis_block(deg_ref):
    d = jnp.sum(deg_ref[0] + deg_ref[1], axis=1, keepdims=True) + 1.0
    return lax.rsqrt(d)


def _tc_xw(x, W):
    def body(x_ref, w_ref, y_ref):
        y_ref[...] = jnp.dot(x_ref[...], w_ref[...],
                             preferred_element_type=jnp.float32)

    return pl.pallas_call(
        body,
        grid=(_GRID,),
        in_specs=[
            pl.BlockSpec((_B, D), lambda i: (i, 0)),
            pl.BlockSpec((D, D), lambda i: (0, 0)),
        ],
        out_specs=pl.BlockSpec((_B, D), lambda i: (i, 0)),
        out_shape=jax.ShapeDtypeStruct((N, D), jnp.float32),
    )(x, W)


def _tc_scale(xw, deg2):
    def body(xw_ref, deg_ref, y_ref, dis_ref):
        dis = _dis_block(deg_ref)
        y_ref[...] = xw_ref[...] * dis
        dis_ref[...] = dis

    return pl.pallas_call(
        body,
        grid=(_GRID,),
        in_specs=[
            pl.BlockSpec((_B, D), lambda i: (i, 0)),
            pl.BlockSpec((NC, _B, DW), lambda i: (0, i, 0)),
        ],
        out_specs=[
            pl.BlockSpec((_B, D), lambda i: (i, 0)),
            pl.BlockSpec((_B, 1), lambda i: (i, 0)),
        ],
        out_shape=[
            jax.ShapeDtypeStruct((N, D), jnp.float32),
            jax.ShapeDtypeStruct((N, 1), jnp.float32),
        ],
    )(xw, deg2)


def _tc_finish(acc, y, dis, b2):
    def body(acc_ref, y_ref, dis_ref, b_ref, o_ref):
        su = ((acc_ref[0] + acc_ref[1] + y_ref[...]) * dis_ref[...]
              + b_ref[...])
        o_ref[...] = jnp.maximum(su, 0.0)

    return pl.pallas_call(
        body,
        grid=(_GRID,),
        in_specs=[
            pl.BlockSpec((NC, _B, D), lambda i: (0, i, 0)),
            pl.BlockSpec((_B, D), lambda i: (i, 0)),
            pl.BlockSpec((_B, 1), lambda i: (i, 0)),
            pl.BlockSpec((1, D), lambda i: (0, 0)),
        ],
        out_specs=pl.BlockSpec((_B, D), lambda i: (i, 0)),
        out_shape=jax.ShapeDtypeStruct((N, D), jnp.float32),
    )(acc, y, dis, b2)


def kernel(x, edge_index, W, b):
    row = edge_index[0].astype(jnp.int32)
    col = edge_index[1].astype(jnp.int32)
    ones = jnp.full((CH, DW), 1.0 / DW, jnp.float32)
    zeros = jnp.zeros((ZCH, D), jnp.float32)
    deg2 = _sc_degree(col, ones, zeros)
    xw = _tc_xw(x, W)
    y, dis = _tc_scale(xw, deg2)
    acc = _sc_scatter(y, row, col, zeros)
    return _tc_finish(acc, y, dis, jnp.reshape(b, (1, D)))

# --- scband reference (transcript-rebuilt; emitter-appended) ---
"""Pipeline reference for scband-gnnlayer-63960652972281 (READ-ONLY COPY).

The authoritative reference and input builder live on the scoring server;
editing this copy changes nothing except your own understanding.
"""

import jax, jax.numpy as jnp
import numpy as np

N = 10000
E = 320000
D_IN = 128
D_OUT = 128


def setup_inputs(seed: int = 0) -> dict:
    key = jax.random.key(seed)
    k1, k2, k3 = jax.random.split(key, 3)
    x = jax.random.normal(k1, (N, D_IN), dtype=jnp.float32)
    edge_index = jax.random.randint(k2, (2, E), 0, N)
    # GCNConv learned params (glorot-style init for weight, zeros for bias)
    W = jax.random.normal(k3, (D_IN, D_OUT), dtype=jnp.float32) * (1.0 / np.sqrt(D_IN))
    b = jnp.zeros((D_OUT,), dtype=jnp.float32)
    return {"x": x, "edge_index": edge_index, "W": W, "b": b}


def reference(x, edge_index, W, b):
    # Faithful GCNConv (PyG defaults: add_self_loops=True, normalize=True, bias) + ReLU
    n = x.shape[0]
    loop = jnp.arange(n, dtype=edge_index.dtype)
    row = jnp.concatenate([edge_index[0], loop])  # source nodes
    col = jnp.concatenate([edge_index[1], loop])  # target nodes
    ones = jnp.ones(row.shape[0], dtype=x.dtype)
    deg = jnp.zeros((n,), dtype=x.dtype).at[col].add(ones)
    deg_inv_sqrt = jnp.where(deg > 0, 1.0 / jnp.sqrt(deg), 0.0)
    norm = deg_inv_sqrt[row] * deg_inv_sqrt[col]
    xw = x @ W
    msgs = jnp.take(xw, row, axis=0) * norm[:, None]
    out = jnp.zeros((n, W.shape[1]), dtype=x.dtype).at[col].add(msgs)
    out = out + b
    return jax.nn.relu(out)

if __name__ == "__main__":
    import jax
    _d = setup_inputs()
    print(jax.jit(kernel)(*tuple(_d.values())))

</pallas_src>

<mosaic_0001>
#map = affine_map<(d0, d1) -> (0, 0)>
#map1 = affine_map<(d0, d1) -> (0, 0, 0, 0)>
#map2 = affine_map<(d0, d1) -> (0, 0, 0)>
module attributes {stable_mosaic.version = 14 : i64} {
  func.func @scat_kernel(%arg0: i32, %arg1: i32, %arg2: memref<10000x128xf32, #tpu.memory_space<hbm>>, %arg3: memref<32x25x5x80xi32, #tpu.memory_space<hbm>>, %arg4: memref<32x25x5x80xi32, #tpu.memory_space<hbm>>, %arg5: memref<80x128xf32, #tpu.memory_space<hbm>>, %arg6: memref<2x10000x128xf32, #tpu.memory_space<hbm>>, %arg7: memref<5x80xi32, #tpu.memory_space<vmem>>, %arg8: memref<5x80xi32, #tpu.memory_space<vmem>>, %arg9: memref<2x80x128xf32, #tpu.memory_space<vmem>>, %arg10: memref<80x128xf32, #tpu.memory_space<vmem>>, %arg11: memref<10000x128xf32, #tpu.memory_space<vmem_shared>>, %arg12: memref<!tpu.dma_semaphore, #tpu.memory_space<semaphore_mem>>, %arg13: memref<!tpu.dma_semaphore, #tpu.memory_space<semaphore_mem>>) attributes {dimension_semantics = [#tpu.dimension_semantics<core_parallel>, #tpu.dimension_semantics<subcore_parallel>], iteration_bounds = array<i64: 2, 16>, scalar_prefetch = 0 : i64, scratch_operands = 7 : i64, tpu.core_type = #tpu.core_type<sc_vector_subcore>, window_params = [{transform_indices = #map}, {transform_indices = #map1}, {transform_indices = #map1}, {transform_indices = #map}, {transform_indices = #map2}]} {
    %mul3A = arith.constant 2 : i32
    %mul3A_0 = arith.muli %arg1, %mul3A : i32
    %add3A = arith.addi %mul3A_0, %arg0 : i32
    "tpu.region"() ({
      %run_scoped3A = tpu.sem_alloc : memref<!tpu.dma_semaphore, #tpu.memory_space<semaphore_mem>>
      tpu.enqueue_dma source(%arg5 : memref<80x128xf32, #tpu.memory_space<hbm>>) target(%arg10 : memref<80x128xf32, #tpu.memory_space<vmem>>) target_semaphore(%run_scoped3A : memref<!tpu.dma_semaphore, #tpu.memory_space<semaphore_mem>>)
      tpu.wait_dma2 semaphore(%run_scoped3A : memref<!tpu.dma_semaphore, #tpu.memory_space<semaphore_mem>>) src(%arg5 : memref<80x128xf32, #tpu.memory_space<hbm>>) dst(%arg10 : memref<80x128xf32, #tpu.memory_space<vmem>>)
      tpu.yield
    }) : () -> ()
    %scan3A = arith.constant 0 : i32
    %scan3A_1 = arith.constant 0 : i32
    %scan3A_2 = arith.constant 8 : i32
    %scan3A_3 = arith.addi %scan3A_1, %scan3A_2 : i32
    %scan3A_4 = arith.constant 1 : i32
    %scan3A_5 = scf.for %scan3A_22 = %scan3A_1 to %scan3A_3 step %scan3A_4 iter_args(%scan3A_23 = %scan3A) -> (i32)  : i32 {
      %mul3A_24 = arith.constant 16 : i32
      %mul3A_25 = arith.muli %mul3A_24, %scan3A_22 : i32
      %add3A_26 = arith.addi %arg1, %mul3A_25 : i32
      %lt3A = arith.constant 125 : i32
      %lt3A_27 = arith.cmpi slt, %add3A_26, %lt3A : i32
      %convert_element_type3A = arith.extui %lt3A_27 : i1 to i32
      %cond3A = arith.constant 0 : i32
      %cond3A_28 = arith.cmpi ne, %convert_element_type3A, %cond3A : i32
      scf.if %cond3A_28 {
        %mul3A_30 = arith.constant 80 : i32
        %mul3A_31 = arith.muli %mul3A_30, %add3A_26 : i32
        "tpu.region"() ({
          %run_scoped3A = tpu.sem_alloc : memref<!tpu.dma_semaphore, #tpu.memory_space<semaphore_mem>>
          %dma_start3A = arith.constant 0 : i32
          %dma_start3A_32 = tpu.memref_slice %arg11[%mul3A_31, %dma_start3A] : memref<10000x128xf32, #tpu.memory_space<vmem_shared>> -> memref<80x128xf32, #tpu.memory_space<vmem_shared>>
          %dma_start3A_33 = arith.constant 0 : i32
          %dma_start3A_34 = tpu.memref_slice %arg11[%mul3A_31, %dma_start3A_33] : memref<10000x128xf32, #tpu.memory_space<vmem_shared>> -> memref<80x128xf32, #tpu.memory_space<vmem_shared>>
          tpu.enqueue_dma source(%arg10 : memref<80x128xf32, #tpu.memory_space<vmem>>) target(%dma_start3A_34 : memref<80x128xf32, #tpu.memory_space<vmem_shared>>) target_semaphore(%run_scoped3A : memref<!tpu.dma_semaphore, #tpu.memory_space<semaphore_mem>>)
          %dma_wait3A = arith.constant 0 : i32
          %dma_wait3A_35 = tpu.memref_slice %arg11[%mul3A_31, %dma_wait3A] : memref<10000x128xf32, #tpu.memory_space<vmem_shared>> -> memref<80x128xf32, #tpu.memory_space<vmem_shared>>
          %dma_wait3A_36 = arith.constant 0 : i32
          %dma_wait3A_37 = tpu.memref_slice %arg11[%mul3A_31, %dma_wait3A_36] : memref<10000x128xf32, #tpu.memory_space<vmem_shared>> -> memref<80x128xf32, #tpu.memory_space<vmem_shared>>
          tpu.wait_dma2 semaphore(%run_scoped3A : memref<!tpu.dma_semaphore, #tpu.memory_space<semaphore_mem>>) src(%arg10 : memref<80x128xf32, #tpu.memory_space<vmem>>) dst(%dma_wait3A_37 : memref<80x128xf32, #tpu.memory_space<vmem_shared>>)
          tpu.yield
        }) : () -> ()
      } else {
      }
      %scan3A_29 = arith.constant 0 : i32
      scf.yield %scan3A_29 : i32
    }
    %scan3A_6 = arith.constant 8 : i32
    %barrier3A = arith.constant 0 : index
    tpu.barrier barrier_id(%barrier3A)
    %scan3A_7 = arith.constant 0 : i32
    %scan3A_8 = arith.constant 0 : i32
    %scan3A_9 = arith.constant 25 : i32
    %scan3A_10 = arith.addi %scan3A_8, %scan3A_9 : i32
    %scan3A_11 = arith.constant 1 : i32
    %scan3A_12 = scf.for %scan3A_22 = %scan3A_8 to %scan3A_10 step %scan3A_11 iter_args(%scan3A_23 = %scan3A_7) -> (i32)  : i32 {
      "tpu.region"() ({
        %run_scoped3A = tpu.sem_alloc : memref<!tpu.dma_semaphore, #tpu.memory_space<semaphore_mem>>
        %dma_start3A_263 = arith.constant 0 : i32
        %dma_start3A_264 = arith.constant 0 : i32
        %dma_start3A_265 = tpu.memref_slice %arg3[%add3A, %scan3A_22, %dma_start3A_263, %dma_start3A_264] : memref<32x25x5x80xi32, #tpu.memory_space<hbm>> -> memref<1x1x5x80xi32, #tpu.memory_space<hbm>>
        %dma_start3A_266 = tpu.memref_squeeze %dma_start3A_265 : memref<1x1x5x80xi32, #tpu.memory_space<hbm>> -> memref<5x80xi32, #tpu.memory_space<hbm>>
        %dma_start3A_267 = arith.constant 0 : i32
        %dma_start3A_268 = arith.constant 0 : i32
        %dma_start3A_269 = tpu.memref_slice %arg3[%add3A, %scan3A_22, %dma_start3A_267, %dma_start3A_268] : memref<32x25x5x80xi32, #tpu.memory_space<hbm>> -> memref<1x1x5x80xi32, #tpu.memory_space<hbm>>
        %dma_start3A_270 = tpu.memref_squeeze %dma_start3A_269 : memref<1x1x5x80xi32, #tpu.memory_space<hbm>> -> memref<5x80xi32, #tpu.memory_space<hbm>>
        tpu.enqueue_dma source(%dma_start3A_270 : memref<5x80xi32, #tpu.memory_space<hbm>>) target(%arg7 : memref<5x80xi32, #tpu.memory_space<vmem>>) target_semaphore(%run_scoped3A : memref<!tpu.dma_semaphore, #tpu.memory_space<semaphore_mem>>)
        %dma_wait3A_271 = arith.constant 0 : i32
        %dma_wait3A_272 = arith.constant 0 : i32
        %dma_wait3A_273 = tpu.memref_slice %arg3[%add3A, %scan3A_22, %dma_wait3A_271, %dma_wait3A_272] : memref<32x25x5x80xi32, #tpu.memory_space<hbm>> -> memref<1x1x5x80xi32, #tpu.memory_space<hbm>>
        %dma_wait3A_274 = tpu.memref_squeeze %dma_wait3A_273 : memref<1x1x5x80xi32, #tpu.memory_space<hbm>> -> memref<5x80xi32, #tpu.memory_space<hbm>>
        %dma_wait3A_275 = arith.constant 0 : i32
        %dma_wait3A_276 = arith.constant 0 : i32
        %dma_wait3A_277 = tpu.memref_slice %arg3[%add3A, %scan3A_22, %dma_wait3A_275, %dma_wait3A_276] : memref<32x25x5x80xi32, #tpu.memory_space<hbm>> -> memref<1x1x5x80xi32, #tpu.memory_space<hbm>>
        %dma_wait3A_278 = tpu.memref_squeeze %dma_wait3A_277 : memref<1x1x5x80xi32, #tpu.memory_space<hbm>> -> memref<5x80xi32, #tpu.memory_space<hbm>>
        tpu.wait_dma2 semaphore(%run_scoped3A : memref<!tpu.dma_semaphore, #tpu.memory_space<semaphore_mem>>) src(%dma_wait3A_278 : memref<5x80xi32, #tpu.memory_space<hbm>>) dst(%arg7 : memref<5x80xi32, #tpu.memory_space<vmem>>)
        tpu.yield
      }) : () -> ()
      "tpu.region"() ({
        %run_scoped3A = tpu.sem_alloc : memref<!tpu.dma_semaphore, #tpu.memory_space<semaphore_mem>>
        %dma_start3A_263 = arith.constant 0 : i32
        %dma_start3A_264 = arith.constant 0 : i32
        %dma_start3A_265 = tpu.memref_slice %arg4[%add3A, %scan3A_22, %dma_start3A_263, %dma_start3A_264] : memref<32x25x5x80xi32, #tpu.memory_space<hbm>> -> memref<1x1x5x80xi32, #tpu.memory_space<hbm>>
        %dma_start3A_266 = tpu.memref_squeeze %dma_start3A_265 : memref<1x1x5x80xi32, #tpu.memory_space<hbm>> -> memref<5x80xi32, #tpu.memory_space<hbm>>
        %dma_start3A_267 = arith.constant 0 : i32
        %dma_start3A_268 = arith.constant 0 : i32
        %dma_start3A_269 = tpu.memref_slice %arg4[%add3A, %scan3A_22, %dma_start3A_267, %dma_start3A_268] : memref<32x25x5x80xi32, #tpu.memory_space<hbm>> -> memref<1x1x5x80xi32, #tpu.memory_space<hbm>>
        %dma_start3A_270 = tpu.memref_squeeze %dma_start3A_269 : memref<1x1x5x80xi32, #tpu.memory_space<hbm>> -> memref<5x80xi32, #tpu.memory_space<hbm>>
        tpu.enqueue_dma source(%dma_start3A_270 : memref<5x80xi32, #tpu.memory_space<hbm>>) target(%arg8 : memref<5x80xi32, #tpu.memory_space<vmem>>) target_semaphore(%run_scoped3A : memref<!tpu.dma_semaphore, #tpu.memory_space<semaphore_mem>>)
        %dma_wait3A_271 = arith.constant 0 : i32
        %dma_wait3A_272 = arith.constant 0 : i32
        %dma_wait3A_273 = tpu.memref_slice %arg4[%add3A, %scan3A_22, %dma_wait3A_271, %dma_wait3A_272] : memref<32x25x5x80xi32, #tpu.memory_space<hbm>> -> memref<1x1x5x80xi32, #tpu.memory_space<hbm>>
        %dma_wait3A_274 = tpu.memref_squeeze %dma_wait3A_273 : memref<1x1x5x80xi32, #tpu.memory_space<hbm>> -> memref<5x80xi32, #tpu.memory_space<hbm>>
        %dma_wait3A_275 = arith.constant 0 : i32
        %dma_wait3A_276 = arith.constant 0 : i32
        %dma_wait3A_277 = tpu.memref_slice %arg4[%add3A, %scan3A_22, %dma_wait3A_275, %dma_wait3A_276] : memref<32x25x5x80xi32, #tpu.memory_space<hbm>> -> memref<1x1x5x80xi32, #tpu.memory_space<hbm>>
        %dma_wait3A_278 = tpu.memref_squeeze %dma_wait3A_277 : memref<1x1x5x80xi32, #tpu.memory_space<hbm>> -> memref<5x80xi32, #tpu.memory_space<hbm>>
        tpu.wait_dma2 semaphore(%run_scoped3A : memref<!tpu.dma_semaphore, #tpu.memory_space<semaphore_mem>>) src(%dma_wait3A_278 : memref<5x80xi32, #tpu.memory_space<hbm>>) dst(%arg8 : memref<5x80xi32, #tpu.memory_space<vmem>>)
        tpu.yield
      }) : () -> ()
      %dma_start3A = arith.constant 0 : i32
      %dma_start3A_24 = arith.constant 0 : i32
      %dma_start3A_25 = arith.constant 0 : i32
      %dma_start3A_26 = arith.constant 0 : i32
      %dma_start3A_27 = tpu.memref_slice %arg9[%dma_start3A_24, %dma_start3A_25, %dma_start3A_26] : memref<2x80x128xf32, #tpu.memory_space<vmem>> -> memref<1x80x128xf32, #tpu.memory_space<vmem>>
      %dma_start3A_28 = tpu.memref_squeeze %dma_start3A_27 : memref<1x80x128xf32, #tpu.memory_space<vmem>> -> memref<80x128xf32, #tpu.memory_space<vmem>>
      %dma_start3A_29 = arith.constant 0 : i32
      %dma_start3A_30 = tpu.memref_slice %arg7[%dma_start3A, %dma_start3A_29] : memref<5x80xi32, #tpu.memory_space<vmem>> -> memref<1x80xi32, #tpu.memory_space<vmem>>
      %dma_start3A_31 = tpu.memref_squeeze %dma_start3A_30 : memref<1x80xi32, #tpu.memory_space<vmem>> -> memref<80xi32, #tpu.memory_space<vmem>>
      %dma_start3A_32 = arith.constant 0 : i32
      %dma_start3A_33 = arith.constant 0 : i32
      %dma_start3A_34 = tpu.memref_slice %arg2[%dma_start3A_32, %dma_start3A_33] : memref<10000x128xf32, #tpu.memory_space<hbm>> -> memref<10000x128xf32, #tpu.memory_space<hbm>>
      tpu.enqueue_indirect_dma source(%dma_start3A_34 : memref<10000x128xf32, #tpu.memory_space<hbm>>) target(%dma_start3A_28 : memref<80x128xf32, #tpu.memory_space<vmem>>) offsets(%dma_start3A_31 : memref<80xi32, #tpu.memory_space<vmem>>) semaphore(%arg12 : memref<!tpu.dma_semaphore, #tpu.memory_space<semaphore_mem>>)
      %dma_start3A_35 = arith.constant 1 : i32
      %dma_start3A_36 = arith.constant 1 : i32
      %dma_start3A_37 = arith.constant 0 : i32
      %dma_start3A_38 = arith.constant 0 : i32
      %dma_start3A_39 = tpu.memref_slice %arg9[%dma_start3A_36, %dma_start3A_37, %dma_start3A_38] : memref<2x80x128xf32, #tpu.memory_space<vmem>> -> memref<1x80x128xf32, #tpu.memory_space<vmem>>
      %dma_start3A_40 = tpu.memref_squeeze %dma_start3A_39 : memref<1x80x128xf32, #tpu.memory_space<vmem>> -> memref<80x128xf32, #tpu.memory_space<vmem>>
      %dma_start3A_41 = arith.constant 0 : i32
      %dma_start3A_42 = tpu.memref_slice %arg7[%dma_start3A_35, %dma_start3A_41] : memref<5x80xi32, #tpu.memory_space<vmem>> -> memref<1x80xi32, #tpu.memory_space<vmem>>
      %dma_start3A_43 = tpu.memref_squeeze %dma_start3A_42 : memref<1x80xi32, #tpu.memory_space<vmem>> -> memref<80xi32, #tpu.memory_space<vmem>>
      %dma_start3A_44 = arith.constant 0 : i32
      %dma_start3A_45 = arith.constant 0 : i32
      %dma_start3A_46 = tpu.memref_slice %arg2[%dma_start3A_44, %dma_start3A_45] : memref<10000x128xf32, #tpu.memory_space<hbm>> -> memref<10000x128xf32, #tpu.memory_space<hbm>>
      tpu.enqueue_indirect_dma source(%dma_start3A_46 : memref<10000x128xf32, #tpu.memory_space<hbm>>) target(%dma_start3A_40 : memref<80x128xf32, #tpu.memory_space<vmem>>) offsets(%dma_start3A_43 : memref<80xi32, #tpu.memory_space<vmem>>) semaphore(%arg12 : memref<!tpu.dma_semaphore, #tpu.memory_space<semaphore_mem>>)
      %dma_wait3A = arith.constant 0 : i32
      %dma_wait3A_47 = arith.constant 0 : i32
      %dma_wait3A_48 = arith.constant 0 : i32
      %dma_wait3A_49 = arith.constant 0 : i32
      %dma_wait3A_50 = tpu.memref_slice %arg9[%dma_wait3A_47, %dma_wait3A_48, %dma_wait3A_49] : memref<2x80x128xf32, #tpu.memory_space<vmem>> -> memref<1x80x128xf32, #tpu.memory_space<vmem>>
      %dma_wait3A_51 = tpu.memref_squeeze %dma_wait3A_50 : memref<1x80x128xf32, #tpu.memory_space<vmem>> -> memref<80x128xf32, #tpu.memory_space<vmem>>
      %dma_wait3A_52 = arith.constant 0 : i32
      %dma_wait3A_53 = tpu.memref_slice %arg7[%dma_wait3A, %dma_wait3A_52] : memref<5x80xi32, #tpu.memory_space<vmem>> -> memref<1x80xi32, #tpu.memory_space<vmem>>
      %dma_wait3A_54 = tpu.memref_squeeze %dma_wait3A_53 : memref<1x80xi32, #tpu.memory_space<vmem>> -> memref<80xi32, #tpu.memory_space<vmem>>
      %dma_wait3A_55 = arith.constant 0 : i32
      %dma_wait3A_56 = arith.constant 0 : i32
      %dma_wait3A_57 = tpu.memref_slice %arg2[%dma_wait3A_55, %dma_wait3A_56] : memref<10000x128xf32, #tpu.memory_space<hbm>> -> memref<10000x128xf32, #tpu.memory_space<hbm>>
      tpu.wait_indirect_dma semaphore(%arg12 : memref<!tpu.dma_semaphore, #tpu.memory_space<semaphore_mem>>) src(%dma_wait3A_57 : memref<10000x128xf32, #tpu.memory_space<hbm>>) dst(%dma_wait3A_51 : memref<80x128xf32, #tpu.memory_space<vmem>>)
      %dma_start3A_58 = arith.constant 0 : i32
      %dma_start3A_59 = arith.constant 0 : i32
      %dma_start3A_60 = arith.constant 0 : i32
      %dma_start3A_61 = arith.constant 0 : i32
      %dma_start3A_62 = tpu.memref_slice %arg9[%dma_start3A_58, %dma_start3A_60, %dma_start3A_61] : memref<2x80x128xf32, #tpu.memory_space<vmem>> -> memref<1x80x128xf32, #tpu.memory_space<vmem>>
      %dma_start3A_63 = tpu.memref_squeeze %dma_start3A_62 : memref<1x80x128xf32, #tpu.memory_space<vmem>> -> memref<80x128xf32, #tpu.memory_space<vmem>>
      %dma_start3A_64 = arith.constant 0 : i32
      %dma_start3A_65 = tpu.memref_slice %arg8[%dma_start3A_59, %dma_start3A_64] : memref<5x80xi32, #tpu.memory_space<vmem>> -> memref<1x80xi32, #tpu.memory_space<vmem>>
      %dma_start3A_66 = tpu.memref_squeeze %dma_start3A_65 : memref<1x80xi32, #tpu.memory_space<vmem>> -> memref<80xi32, #tpu.memory_space<vmem>>
      %dma_start3A_67 = arith.constant 0 : i32
      %dma_start3A_68 = arith.constant 0 : i32
      %dma_start3A_69 = tpu.memref_slice %arg11[%dma_start3A_67, %dma_start3A_68] : memref<10000x128xf32, #tpu.memory_space<vmem_shared>> -> memref<10000x128xf32, #tpu.memory_space<vmem_shared>>
      tpu.enqueue_indirect_dma source(%dma_start3A_63 : memref<80x128xf32, #tpu.memory_space<vmem>>) target(%dma_start3A_69 : memref<10000x128xf32, #tpu.memory_space<vmem_shared>>) offsets(%dma_start3A_66 : memref<80xi32, #tpu.memory_space<vmem>>) semaphore(%arg13 : memref<!tpu.dma_semaphore, #tpu.memory_space<semaphore_mem>>) {add = true}
      %dma_start3A_70 = arith.constant 2 : i32
      %dma_start3A_71 = arith.constant 0 : i32
      %dma_start3A_72 = arith.constant 0 : i32
      %dma_start3A_73 = arith.constant 0 : i32
      %dma_start3A_74 = tpu.memref_slice %arg9[%dma_start3A_71, %dma_start3A_72, %dma_start3A_73] : memref<2x80x128xf32, #tpu.memory_space<vmem>> -> memref<1x80x128xf32, #tpu.memory_space<vmem>>
      %dma_start3A_75 = tpu.memref_squeeze %dma_start3A_74 : memref<1x80x128xf32, #tpu.memory_space<vmem>> -> memref<80x128xf32, #tpu.memory_space<vmem>>
      %dma_start3A_76 = arith.constant 0 : i32
      %dma_start3A_77 = tpu.memref_slice %arg7[%dma_start3A_70, %dma_start3A_76] : memref<5x80xi32, #tpu.memory_space<vmem>> -> memref<1x80xi32, #tpu.memory_space<vmem>>
      %dma_start3A_78 = tpu.memref_squeeze %dma_start3A_77 : memref<1x80xi32, #tpu.memory_space<vmem>> -> memref<80xi32, #tpu.memory_space<vmem>>
      %dma_start3A_79 = arith.constant 0 : i32
      %dma_start3A_80 = arith.constant 0 : i32
      %dma_start3A_81 = tpu.memref_slice %arg2[%dma_start3A_79, %dma_start3A_80] : memref<10000x128xf32, #tpu.memory_space<hbm>> -> memref<10000x128xf32, #tpu.memory_space<hbm>>
      tpu.enqueue_indirect_dma source(%dma_start3A_81 : memref<10000x128xf32, #tpu.memory_space<hbm>>) target(%dma_start3A_75 : memref<80x128xf32, #tpu.memory_space<vmem>>) offsets(%dma_start3A_78 : memref<80xi32, #tpu.memory_space<vmem>>) semaphore(%arg12 : memref<!tpu.dma_semaphore, #tpu.memory_space<semaphore_mem>>)
      %dma_wait3A_82 = arith.constant 1 : i32
      %dma_wait3A_83 = arith.constant 1 : i32
      %dma_wait3A_84 = arith.constant 0 : i32
      %dma_wait3A_85 = arith.constant 0 : i32
      %dma_wait3A_86 = tpu.memref_slice %arg9[%dma_wait3A_83, %dma_wait3A_84, %dma_wait3A_85] : memref<2x80x128xf32, #tpu.memory_space<vmem>> -> memref<1x80x128xf32, #tpu.memory_space<vmem>>
      %dma_wait3A_87 = tpu.memref_squeeze %dma_wait3A_86 : memref<1x80x128xf32, #tpu.memory_space<vmem>> -> memref<80x128xf32, #tpu.memory_space<vmem>>
      %dma_wait3A_88 = arith.constant 0 : i32
      %dma_wait3A_89 = tpu.memref_slice %arg7[%dma_wait3A_82, %dma_wait3A_88] : memref<5x80xi32, #tpu.memory_space<vmem>> -> memref<1x80xi32, #tpu.memory_space<vmem>>
      %dma_wait3A_90 = tpu.memref_squeeze %dma_wait3A_89 : memref<1x80xi32, #tpu.memory_space<vmem>> -> memref<80xi32, #tpu.memory_space<vmem>>
      %dma_wait3A_91 = arith.constant 0 : i32
      %dma_wait3A_92 = arith.constant 0 : i32
      %dma_wait3A_93 = tpu.memref_slice %arg2[%dma_wait3A_91, %dma_wait3A_92] : memref<10000x128xf32, #tpu.memory_space<hbm>> -> memref<10000x128xf32, #tpu.memory_space<hbm>>
      tpu.wait_indirect_dma semaphore(%arg12 : memref<!tpu.dma_semaphore, #tpu.memory_space<semaphore_mem>>) src(%dma_wait3A_93 : memref<10000x128xf32, #tpu.memory_space<hbm>>) dst(%dma_wait3A_87 : memref<80x128xf32, #tpu.memory_space<vmem>>)
      %dma_start3A_94 = arith.constant 1 : i32
      %dma_start3A_95 = arith.constant 1 : i32
      %dma_start3A_96 = arith.constant 0 : i32
      %dma_start3A_97 = arith.constant 0 : i32
      %dma_start3A_98 = tpu.memref_slice %arg9[%dma_start3A_94, %dma_start3A_96, %dma_start3A_97] : memref<2x80x128xf32, #tpu.memory_space<vmem>> -> memref<1x80x128xf32, #tpu.memory_space<vmem>>
      %dma_start3A_99 = tpu.memref_squeeze %dma_start3A_98 : memref<1x80x128xf32, #tpu.memory_space<vmem>> -> memref<80x128xf32, #tpu.memory_space<vmem>>
      %dma_start3A_100 = arith.constant 0 : i32
      %dma_start3A_101 = tpu.memref_slice %arg8[%dma_start3A_95, %dma_start3A_100] : memref<5x80xi32, #tpu.memory_space<vmem>> -> memref<1x80xi32, #tpu.memory_space<vmem>>
      %dma_start3A_102 = tpu.memref_squeeze %dma_start3A_101 : memref<1x80xi32, #tpu.memory_space<vmem>> -> memref<80xi32, #tpu.memory_space<vmem>>
      %dma_start3A_103 = arith.constant 0 : i32
      %dma_start3A_104 = arith.constant 0 : i32
      %dma_start3A_105 = tpu.memref_slice %arg11[%dma_start3A_103, %dma_start3A_104] : memref<10000x128xf32, #tpu.memory_space<vmem_shared>> -> memref<10000x128xf32, #tpu.memory_space<vmem_shared>>
      tpu.enqueue_indirect_dma source(%dma_start3A_99 : memref<80x128xf32, #tpu.memory_space<vmem>>) target(%dma_start3A_105 : memref<10000x128xf32, #tpu.memory_space<vmem_shared>>) offsets(%dma_start3A_102 : memref<80xi32, #tpu.memory_space<vmem>>) semaphore(%arg13 : memref<!tpu.dma_semaphore, #tpu.memory_space<semaphore_mem>>) {add = true}
      %dma_start3A_106 = arith.constant 3 : i32
      %dma_start3A_107 = arith.constant 1 : i32
      %dma_start3A_108 = arith.constant 0 : i32
      %dma_start3A_109 = arith.constant 0 : i32
      %dma_start3A_110 = tpu.memref_slice %arg9[%dma_start3A_107, %dma_start3A_108, %dma_start3A_109] : memref<2x80x128xf32, #tpu.memory_space<vmem>> -> memref<1x80x128xf32, #tpu.memory_space<vmem>>
      %dma_start3A_111 = tpu.memref_squeeze %dma_start3A_110 : memref<1x80x128xf32, #tpu.memory_space<vmem>> -> memref<80x128xf32, #tpu.memory_space<vmem>>
      %dma_start3A_112 = arith.constant 0 : i32
      %dma_start3A_113 = tpu.memref_slice %arg7[%dma_start3A_106, %dma_start3A_112] : memref<5x80xi32, #tpu.memory_space<vmem>> -> memref<1x80xi32, #tpu.memory_space<vmem>>
      %dma_start3A_114 = tpu.memref_squeeze %dma_start3A_113 : memref<1x80xi32, #tpu.memory_space<vmem>> -> memref<80xi32, #tpu.memory_space<vmem>>
      %dma_start3A_115 = arith.constant 0 : i32
      %dma_start3A_116 = arith.constant 0 : i32
      %dma_start3A_117 = tpu.memref_slice %arg2[%dma_start3A_115, %dma_start3A_116] : memref<10000x128xf32, #tpu.memory_space<hbm>> -> memref<10000x128xf32, #tpu.memory_space<hbm>>
      tpu.enqueue_indirect_dma source(%dma_start3A_117 : memref<10000x128xf32, #tpu.memory_space<hbm>>) target(%dma_start3A_111 : memref<80x128xf32, #tpu.memory_space<vmem>>) offsets(%dma_start3A_114 : memref<80xi32, #tpu.memory_space<vmem>>) semaphore(%arg12 : memref<!tpu.dma_semaphore, #tpu.memory_space<semaphore_mem>>)
      %dma_wait3A_118 = arith.constant 2 : i32
      %dma_wait3A_119 = arith.constant 0 : i32
      %dma_wait3A_120 = arith.constant 0 : i32
      %dma_wait3A_121 = arith.constant 0 : i32
      %dma_wait3A_122 = tpu.memref_slice %arg9[%dma_wait3A_119, %dma_wait3A_120, %dma_wait3A_121] : memref<2x80x128xf32, #tpu.memory_space<vmem>> -> memref<1x80x128xf32, #tpu.memory_space<vmem>>
      %dma_wait3A_123 = tpu.memref_squeeze %dma_wait3A_122 : memref<1x80x128xf32, #tpu.memory_space<vmem>> -> memref<80x128xf32, #tpu.memory_space<vmem>>
      %dma_wait3A_124 = arith.constant 0 : i32
      %dma_wait3A_125 = tpu.memref_slice %arg7[%dma_wait3A_118, %dma_wait3A_124] : memref<5x80xi32, #tpu.memory_space<vmem>> -> memref<1x80xi32, #tpu.memory_space<vmem>>
      %dma_wait3A_126 = tpu.memref_squeeze %dma_wait3A_125 : memref<1x80xi32, #tpu.memory_space<vmem>> -> memref<80xi32, #tpu.memory_space<vmem>>
      %dma_wait3A_127 = arith.constant 0 : i32
      %dma_wait3A_128 = arith.constant 0 : i32
      %dma_wait3A_129 = tpu.memref_slice %arg2[%dma_wait3A_127, %dma_wait3A_128] : memref<10000x128xf32, #tpu.memory_space<hbm>> -> memref<10000x128xf32, #tpu.memory_space<hbm>>
      tpu.wait_indirect_dma semaphore(%arg12 : memref<!tpu.dma_semaphore, #tpu.memory_space<semaphore_mem>>) src(%dma_wait3A_129 : memref<10000x128xf32, #tpu.memory_space<hbm>>) dst(%dma_wait3A_123 : memref<80x128xf32, #tpu.memory_space<vmem>>)
      %dma_start3A_130 = arith.constant 0 : i32
      %dma_start3A_131 = arith.constant 2 : i32
      %dma_start3A_132 = arith.constant 0 : i32
      %dma_start3A_133 = arith.constant 0 : i32
      %dma_start3A_134 = tpu.memref_slice %arg9[%dma_start3A_130, %dma_start3A_132, %dma_start3A_133] : memref<2x80x128xf32, #tpu.memory_space<vmem>> -> memref<1x80x128xf32, #tpu.memory_space<vmem>>
      %dma_start3A_135 = tpu.memref_squeeze %dma_start3A_134 : memref<1x80x128xf32, #tpu.memory_space<vmem>> -> memref<80x128xf32, #tpu.memory_space<vmem>>
      %dma_start3A_136 = arith.constant 0 : i32
      %dma_start3A_137 = tpu.memref_slice %arg8[%dma_start3A_131, %dma_start3A_136] : memref<5x80xi32, #tpu.memory_space<vmem>> -> memref<1x80xi32, #tpu.memory_space<vmem>>
      %dma_start3A_138 = tpu.memref_squeeze %dma_start3A_137 : memref<1x80xi32, #tpu.memory_space<vmem>> -> memref<80xi32, #tpu.memory_space<vmem>>
      %dma_start3A_139 = arith.constant 0 : i32
      %dma_start3A_140 = arith.constant 0 : i32
      %dma_start3A_141 = tpu.memref_slice %arg11[%dma_start3A_139, %dma_start3A_140] : memref<10000x128xf32, #tpu.memory_space<vmem_shared>> -> memref<10000x128xf32, #tpu.memory_space<vmem_shared>>
      tpu.enqueue_indirect_dma source(%dma_start3A_135 : memref<80x128xf32, #tpu.memory_space<vmem>>) target(%dma_start3A_141 : memref<10000x128xf32, #tpu.memory_space<vmem_shared>>) offsets(%dma_start3A_138 : memref<80xi32, #tpu.memory_space<vmem>>) semaphore(%arg13 : memref<!tpu.dma_semaphore, #tpu.memory_space<semaphore_mem>>) {add = true}
      %dma_start3A_142 = arith.constant 4 : i32
      %dma_start3A_143 = arith.constant 0 : i32
      %dma_start3A_144 = arith.constant 0 : i32
      %dma_start3A_145 = arith.constant 0 : i32
      %dma_start3A_146 = tpu.memref_slice %arg9[%dma_start3A_143, %dma_start3A_144, %dma_start3A_145] : memref<2x80x128xf32, #tpu.memory_space<vmem>> -> memref<1x80x128xf32, #tpu.memory_space<vmem>>
      %dma_start3A_147 = tpu.memref_squeeze %dma_start3A_146 : memref<1x80x128xf32, #tpu.memory_space<vmem>> -> memref<80x128xf32, #tpu.memory_space<vmem>>
      %dma_start3A_148 = arith.constant 0 : i32
      %dma_start3A_149 = tpu.memref_slice %arg7[%dma_start3A_142, %dma_start3A_148] : memref<5x80xi32, #tpu.memory_space<vmem>> -> memref<1x80xi32, #tpu.memory_space<vmem>>
      %dma_start3A_150 = tpu.memref_squeeze %dma_start3A_149 : memref<1x80xi32, #tpu.memory_space<vmem>> -> memref<80xi32, #tpu.memory_space<vmem>>
      %dma_start3A_151 = arith.constant 0 : i32
      %dma_start3A_152 = arith.constant 0 : i32
      %dma_start3A_153 = tpu.memref_slice %arg2[%dma_start3A_151, %dma_start3A_152] : memref<10000x128xf32, #tpu.memory_space<hbm>> -> memref<10000x128xf32, #tpu.memory_space<hbm>>
      tpu.enqueue_indirect_dma source(%dma_start3A_153 : memref<10000x128xf32, #tpu.memory_space<hbm>>) target(%dma_start3A_147 : memref<80x128xf32, #tpu.memory_space<vmem>>) offsets(%dma_start3A_150 : memref<80xi32, #tpu.memory_space<vmem>>) semaphore(%arg12 : memref<!tpu.dma_semaphore, #tpu.memory_space<semaphore_mem>>)
      %dma_wait3A_154 = arith.constant 3 : i32
      %dma_wait3A_155 = arith.constant 1 : i32
      %dma_wait3A_156 = arith.constant 0 : i32
      %dma_wait3A_157 = arith.constant 0 : i32
      %dma_wait3A_158 = tpu.memref_slice %arg9[%dma_wait3A_155, %dma_wait3A_156, %dma_wait3A_157] : memref<2x80x128xf32, #tpu.memory_space<vmem>> -> memref<1x80x128xf32, #tpu.memory_space<vmem>>
      %dma_wait3A_159 = tpu.memref_squeeze %dma_wait3A_158 : memref<1x80x128xf32, #tpu.memory_space<vmem>> -> memref<80x128xf32, #tpu.memory_space<vmem>>
      %dma_wait3A_160 = arith.constant 0 : i32
      %dma_wait3A_161 = tpu.memref_slice %arg7[%dma_wait3A_154, %dma_wait3A_160] : memref<5x80xi32, #tpu.memory_space<vmem>> -> memref<1x80xi32, #tpu.memory_space<vmem>>
      %dma_wait3A_162 = tpu.memref_squeeze %dma_wait3A_161 : memref<1x80xi32, #tpu.memory_space<vmem>> -> memref<80xi32, #tpu.memory_space<vmem>>
      %dma_wait3A_163 = arith.constant 0 : i32
      %dma_wait3A_164 = arith.constant 0 : i32
      %dma_wait3A_165 = tpu.memref_slice %arg2[%dma_wait3A_163, %dma_wait3A_164] : memref<10000x128xf32, #tpu.memory_space<hbm>> -> memref<10000x128xf32, #tpu.memory_space<hbm>>
      tpu.wait_indirect_dma semaphore(%arg12 : memref<!tpu.dma_semaphore, #tpu.memory_space<semaphore_mem>>) src(%dma_wait3A_165 : memref<10000x128xf32, #tpu.memory_space<hbm>>) dst(%dma_wait3A_159 : memref<80x128xf32, #tpu.memory_space<vmem>>)
      %dma_start3A_166 = arith.constant 1 : i32
      %dma_start3A_167 = arith.constant 3 : i32
      %dma_start3A_168 = arith.constant 0 : i32
      %dma_start3A_169 = arith.constant 0 : i32
      %dma_start3A_170 = tpu.memref_slice %arg9[%dma_start3A_166, %dma_start3A_168, %dma_start3A_169] : memref<2x80x128xf32, #tpu.memory_space<vmem>> -> memref<1x80x128xf32, #tpu.memory_space<vmem>>
      %dma_start3A_171 = tpu.memref_squeeze %dma_start3A_170 : memref<1x80x128xf32, #tpu.memory_space<vmem>> -> memref<80x128xf32, #tpu.memory_space<vmem>>
      %dma_start3A_172 = arith.constant 0 : i32
      %dma_start3A_173 = tpu.memref_slice %arg8[%dma_start3A_167, %dma_start3A_172] : memref<5x80xi32, #tpu.memory_space<vmem>> -> memref<1x80xi32, #tpu.memory_space<vmem>>
      %dma_start3A_174 = tpu.memref_squeeze %dma_start3A_173 : memref<1x80xi32, #tpu.memory_space<vmem>> -> memref<80xi32, #tpu.memory_space<vmem>>
      %dma_start3A_175 = arith.constant 0 : i32
      %dma_start3A_176 = arith.constant 0 : i32
      %dma_start3A_177 = tpu.memref_slice %arg11[%dma_start3A_175, %dma_start3A_176] : memref<10000x128xf32, #tpu.memory_space<vmem_shared>> -> memref<10000x128xf32, #tpu.memory_space<vmem_shared>>
      tpu.enqueue_indirect_dma source(%dma_start3A_171 : memref<80x128xf32, #tpu.memory_space<vmem>>) target(%dma_start3A_177 : memref<10000x128xf32, #tpu.memory_space<vmem_shared>>) offsets(%dma_start3A_174 : memref<80xi32, #tpu.memory_space<vmem>>) semaphore(%arg13 : memref<!tpu.dma_semaphore, #tpu.memory_space<semaphore_mem>>) {add = true}
      %dma_wait3A_178 = arith.constant 4 : i32
      %dma_wait3A_179 = arith.constant 0 : i32
      %dma_wait3A_180 = arith.constant 0 : i32
      %dma_wait3A_181 = arith.constant 0 : i32
      %dma_wait3A_182 = tpu.memref_slice %arg9[%dma_wait3A_179, %dma_wait3A_180, %dma_wait3A_181] : memref<2x80x128xf32, #tpu.memory_space<vmem>> -> memref<1x80x128xf32, #tpu.memory_space<vmem>>
      %dma_wait3A_183 = tpu.memref_squeeze %dma_wait3A_182 : memref<1x80x128xf32, #tpu.memory_space<vmem>> -> memref<80x128xf32, #tpu.memory_space<vmem>>
      %dma_wait3A_184 = arith.constant 0 : i32
      %dma_wait3A_185 = tpu.memref_slice %arg7[%dma_wait3A_178, %dma_wait3A_184] : memref<5x80xi32, #tpu.memory_space<vmem>> -> memref<1x80xi32, #tpu.memory_space<vmem>>
      %dma_wait3A_186 = tpu.memref_squeeze %dma_wait3A_185 : memref<1x80xi32, #tpu.memory_space<vmem>> -> memref<80xi32, #tpu.memory_space<vmem>>
      %dma_wait3A_187 = arith.constant 0 : i32
      %dma_wait3A_188 = arith.constant 0 : i32
      %dma_wait3A_189 = tpu.memref_slice %arg2[%dma_wait3A_187, %dma_wait3A_188] : memref<10000x128xf32, #tpu.memory_space<hbm>> -> memref<10000x128xf32, #tpu.memory_space<hbm>>
      tpu.wait_indirect_dma semaphore(%arg12 : memref<!tpu.dma_semaphore, #tpu.memory_space<semaphore_mem>>) src(%dma_wait3A_189 : memref<10000x128xf32, #tpu.memory_space<hbm>>) dst(%dma_wait3A_183 : memref<80x128xf32, #tpu.memory_space<vmem>>)
      %dma_start3A_190 = arith.constant 0 : i32
      %dma_start3A_191 = arith.constant 4 : i32
      %dma_start3A_192 = arith.constant 0 : i32
      %dma_start3A_193 = arith.constant 0 : i32
      %dma_start3A_194 = tpu.memref_slice %arg9[%dma_start3A_190, %dma_start3A_192, %dma_start3A_193] : memref<2x80x128xf32, #tpu.memory_space<vmem>> -> memref<1x80x128xf32, #tpu.memory_space<vmem>>
      %dma_start3A_195 = tpu.memref_squeeze %dma_start3A_194 : memref<1x80x128xf32, #tpu.memory_space<vmem>> -> memref<80x128xf32, #tpu.memory_space<vmem>>
      %dma_start3A_196 = arith.constant 0 : i32
      %dma_start3A_197 = tpu.memref_slice %arg8[%dma_start3A_191, %dma_start3A_196] : memref<5x80xi32, #tpu.memory_space<vmem>> -> memref<1x80xi32, #tpu.memory_space<vmem>>
      %dma_start3A_198 = tpu.memref_squeeze %dma_start3A_197 : memref<1x80xi32, #tpu.memory_space<vmem>> -> memref<80xi32, #tpu.memory_space<vmem>>
      %dma_start3A_199 = arith.constant 0 : i32
      %dma_start3A_200 = arith.constant 0 : i32
      %dma_start3A_201 = tpu.memref_slice %arg11[%dma_start3A_199, %dma_start3A_200] : memref<10000x128xf32, #tpu.memory_space<vmem_shared>> -> memref<10000x128xf32, #tpu.memory_space<vmem_shared>>
      tpu.enqueue_indirect_dma source(%dma_start3A_195 : memref<80x128xf32, #tpu.memory_space<vmem>>) target(%dma_start3A_201 : memref<10000x128xf32, #tpu.memory_space<vmem_shared>>) offsets(%dma_start3A_198 : memref<80xi32, #tpu.memory_space<vmem>>) semaphore(%arg13 : memref<!tpu.dma_semaphore, #tpu.memory_space<semaphore_mem>>) {add = true}
      %dma_wait3A_202 = arith.constant 0 : i32
      %dma_wait3A_203 = arith.constant 0 : i32
      %dma_wait3A_204 = arith.constant 0 : i32
      %dma_wait3A_205 = arith.constant 0 : i32
      %dma_wait3A_206 = tpu.memref_slice %arg9[%dma_wait3A_202, %dma_wait3A_204, %dma_wait3A_205] : memref<2x80x128xf32, #tpu.memory_space<vmem>> -> memref<1x80x128xf32, #tpu.memory_space<vmem>>
      %dma_wait3A_207 = tpu.memref_squeeze %dma_wait3A_206 : memref<1x80x128xf32, #tpu.memory_space<vmem>> -> memref<80x128xf32, #tpu.memory_space<vmem>>
      %dma_wait3A_208 = arith.constant 0 : i32
      %dma_wait3A_209 = tpu.memref_slice %arg8[%dma_wait3A_203, %dma_wait3A_208] : memref<5x80xi32, #tpu.memory_space<vmem>> -> memref<1x80xi32, #tpu.memory_space<vmem>>
      %dma_wait3A_210 = tpu.memref_squeeze %dma_wait3A_209 : memref<1x80xi32, #tpu.memory_space<vmem>> -> memref<80xi32, #tpu.memory_space<vmem>>
      %dma_wait3A_211 = arith.constant 0 : i32
      %dma_wait3A_212 = arith.constant 0 : i32
      %dma_wait3A_213 = tpu.memref_slice %arg11[%dma_wait3A_211, %dma_wait3A_212] : memref<10000x128xf32, #tpu.memory_space<vmem_shared>> -> memref<10000x128xf32, #tpu.memory_space<vmem_shared>>
      tpu.wait_indirect_dma semaphore(%arg13 : memref<!tpu.dma_semaphore, #tpu.memory_space<semaphore_mem>>) src(%dma_wait3A_207 : memref<80x128xf32, #tpu.memory_space<vmem>>) dst(%dma_wait3A_213 : memref<10000x128xf32, #tpu.memory_space<vmem_shared>>)
      %dma_wait3A_214 = arith.constant 1 : i32
      %dma_wait3A_215 = arith.constant 1 : i32
      %dma_wait3A_216 = arith.constant 0 : i32
      %dma_wait3A_217 = arith.constant 0 : i32
      %dma_wait3A_218 = tpu.memref_slice %arg9[%dma_wait3A_214, %dma_wait3A_216, %dma_wait3A_217] : memref<2x80x128xf32, #tpu.memory_space<vmem>> -> memref<1x80x128xf32, #tpu.memory_space<vmem>>
      %dma_wait3A_219 = tpu.memref_squeeze %dma_wait3A_218 : memref<1x80x128xf32, #tpu.memory_space<vmem>> -> memref<80x128xf32, #tpu.memory_space<vmem>>
      %dma_wait3A_220 = arith.constant 0 : i32
      %dma_wait3A_221 = tpu.memref_slice %arg8[%dma_wait3A_215, %dma_wait3A_220] : memref<5x80xi32, #tpu.memory_space<vmem>> -> memref<1x80xi32, #tpu.memory_space<vmem>>
      %dma_wait3A_222 = tpu.memref_squeeze %dma_wait3A_221 : memref<1x80xi32, #tpu.memory_space<vmem>> -> memref<80xi32, #tpu.memory_space<vmem>>
      %dma_wait3A_223 = arith.constant 0 : i32
      %dma_wait3A_224 = arith.constant 0 : i32
      %dma_wait3A_225 = tpu.memref_slice %arg11[%dma_wait3A_223, %dma_wait3A_224] : memref<10000x128xf32, #tpu.memory_space<vmem_shared>> -> memref<10000x128xf32, #tpu.memory_space<vmem_shared>>
      tpu.wait_indirect_dma semaphore(%arg13 : memref<!tpu.dma_semaphore, #tpu.memory_space<semaphore_mem>>) src(%dma_wait3A_219 : memref<80x128xf32, #tpu.memory_space<vmem>>) dst(%dma_wait3A_225 : memref<10000x128xf32, #tpu.memory_space<vmem_shared>>)
      %dma_wait3A_226 = arith.constant 0 : i32
      %dma_wait3A_227 = arith.constant 2 : i32
      %dma_wait3A_228 = arith.constant 0 : i32
      %dma_wait3A_229 = arith.constant 0 : i32
      %dma_wait3A_230 = tpu.memref_slice %arg9[%dma_wait3A_226, %dma_wait3A_228, %dma_wait3A_229] : memref<2x80x128xf32, #tpu.memory_space<vmem>> -> memref<1x80x128xf32, #tpu.memory_space<vmem>>
      %dma_wait3A_231 = tpu.memref_squeeze %dma_wait3A_230 : memref<1x80x128xf32, #tpu.memory_space<vmem>> -> memref<80x128xf32, #tpu.memory_space<vmem>>
      %dma_wait3A_232 = arith.constant 0 : i32
      %dma_wait3A_233 = tpu.memref_slice %arg8[%dma_wait3A_227, %dma_wait3A_232] : memref<5x80xi32, #tpu.memory_space<vmem>> -> memref<1x80xi32, #tpu.memory_space<vmem>>
      %dma_wait3A_234 = tpu.memref_squeeze %dma_wait3A_233 : memref<1x80xi32, #tpu.memory_space<vmem>> -> memref<80xi32, #tpu.memory_space<vmem>>
      %dma_wait3A_235 = arith.constant 0 : i32
      %dma_wait3A_236 = arith.constant 0 : i32
      %dma_wait3A_237 = tpu.memref_slice %arg11[%dma_wait3A_235, %dma_wait3A_236] : memref<10000x128xf32, #tpu.memory_space<vmem_shared>> -> memref<10000x128xf32, #tpu.memory_space<vmem_shared>>
      tpu.wait_indirect_dma semaphore(%arg13 : memref<!tpu.dma_semaphore, #tpu.memory_space<semaphore_mem>>) src(%dma_wait3A_231 : memref<80x128xf32, #tpu.memory_space<vmem>>) dst(%dma_wait3A_237 : memref<10000x128xf32, #tpu.memory_space<vmem_shared>>)
      %dma_wait3A_238 = arith.constant 1 : i32
      %dma_wait3A_239 = arith.constant 3 : i32
      %dma_wait3A_240 = arith.constant 0 : i32
      %dma_wait3A_241 = arith.constant 0 : i32
      %dma_wait3A_242 = tpu.memref_slice %arg9[%dma_wait3A_238, %dma_wait3A_240, %dma_wait3A_241] : memref<2x80x128xf32, #tpu.memory_space<vmem>> -> memref<1x80x128xf32, #tpu.memory_space<vmem>>
      %dma_wait3A_243 = tpu.memref_squeeze %dma_wait3A_242 : memref<1x80x128xf32, #tpu.memory_space<vmem>> -> memref<80x128xf32, #tpu.memory_space<vmem>>
      %dma_wait3A_244 = arith.constant 0 : i32
      %dma_wait3A_245 = tpu.memref_slice %arg8[%dma_wait3A_239, %dma_wait3A_244] : memref<5x80xi32, #tpu.memory_space<vmem>> -> memref<1x80xi32, #tpu.memory_space<vmem>>
      %dma_wait3A_246 = tpu.memref_squeeze %dma_wait3A_245 : memref<1x80xi32, #tpu.memory_space<vmem>> -> memref<80xi32, #tpu.memory_space<vmem>>
      %dma_wait3A_247 = arith.constant 0 : i32
      %dma_wait3A_248 = arith.constant 0 : i32
      %dma_wait3A_249 = tpu.memref_slice %arg11[%dma_wait3A_247, %dma_wait3A_248] : memref<10000x128xf32, #tpu.memory_space<vmem_shared>> -> memref<10000x128xf32, #tpu.memory_space<vmem_shared>>
      tpu.wait_indirect_dma semaphore(%arg13 : memref<!tpu.dma_semaphore, #tpu.memory_space<semaphore_mem>>) src(%dma_wait3A_243 : memref<80x128xf32, #tpu.memory_space<vmem>>) dst(%dma_wait3A_249 : memref<10000x128xf32, #tpu.memory_space<vmem_shared>>)
      %dma_wait3A_250 = arith.constant 0 : i32
      %dma_wait3A_251 = arith.constant 4 : i32
      %dma_wait3A_252 = arith.constant 0 : i32
      %dma_wait3A_253 = arith.constant 0 : i32
      %dma_wait3A_254 = tpu.memref_slice %arg9[%dma_wait3A_250, %dma_wait3A_252, %dma_wait3A_253] : memref<2x80x128xf32, #tpu.memory_space<vmem>> -> memref<1x80x128xf32, #tpu.memory_space<vmem>>
      %dma_wait3A_255 = tpu.memref_squeeze %dma_wait3A_254 : memref<1x80x128xf32, #tpu.memory_space<vmem>> -> memref<80x128xf32, #tpu.memory_space<vmem>>
      %dma_wait3A_256 = arith.constant 0 : i32
      %dma_wait3A_257 = tpu.memref_slice %arg8[%dma_wait3A_251, %dma_wait3A_256] : memref<5x80xi32, #tpu.memory_space<vmem>> -> memref<1x80xi32, #tpu.memory_space<vmem>>
      %dma_wait3A_258 = tpu.memref_squeeze %dma_wait3A_257 : memref<1x80xi32, #tpu.memory_space<vmem>> -> memref<80xi32, #tpu.memory_space<vmem>>
      %dma_wait3A_259 = arith.constant 0 : i32
      %dma_wait3A_260 = arith.constant 0 : i32
      %dma_wait3A_261 = tpu.memref_slice %arg11[%dma_wait3A_259, %dma_wait3A_260] : memref<10000x128xf32, #tpu.memory_space<vmem_shared>> -> memref<10000x128xf32, #tpu.memory_space<vmem_shared>>
      tpu.wait_indirect_dma semaphore(%arg13 : memref<!tpu.dma_semaphore, #tpu.memory_space<semaphore_mem>>) src(%dma_wait3A_255 : memref<80x128xf32, #tpu.memory_space<vmem>>) dst(%dma_wait3A_261 : memref<10000x128xf32, #tpu.memory_space<vmem_shared>>)
      %scan3A_262 = arith.constant 0 : i32
      scf.yield %scan3A_262 : i32
    }
    %scan3A_13 = arith.constant 25 : i32
    %barrier3A_14 = arith.constant 0 : index
    tpu.barrier barrier_id(%barrier3A_14)
    %scan3A_15 = arith.constant 0 : i32
    %scan3A_16 = arith.constant 0 : i32
    %scan3A_17 = arith.constant 4 : i32
    %scan3A_18 = arith.addi %scan3A_16, %scan3A_17 : i32
    %scan3A_19 = arith.constant 1 : i32
    %scan3A_20 = scf.for %scan3A_22 = %scan3A_16 to %scan3A_18 step %scan3A_19 iter_args(%scan3A_23 = %scan3A_15) -> (i32)  : i32 {
      %mul3A_24 = arith.constant 16 : i32
      %mul3A_25 = arith.muli %mul3A_24, %scan3A_22 : i32
      %add3A_26 = arith.addi %arg1, %mul3A_25 : i32
      %lt3A = arith.constant 50 : i32
      %lt3A_27 = arith.cmpi slt, %add3A_26, %lt3A : i32
      %convert_element_type3A = arith.extui %lt3A_27 : i1 to i32
      %cond3A = arith.constant 0 : i32
      %cond3A_28 = arith.cmpi ne, %convert_element_type3A, %cond3A : i32
      scf.if %cond3A_28 {
        %mul3A_30 = arith.constant 200 : i32
        %mul3A_31 = arith.muli %mul3A_30, %add3A_26 : i32
        "tpu.region"() ({
          %run_scoped3A = tpu.sem_alloc : memref<!tpu.dma_semaphore, #tpu.memory_space<semaphore_mem>>
          %dma_start3A = arith.constant 0 : i32
          %dma_start3A_32 = tpu.memref_slice %arg6[%arg0, %mul3A_31, %dma_start3A] : memref<2x10000x128xf32, #tpu.memory_space<hbm>> -> memref<1x200x128xf32, #tpu.memory_space<hbm>>
          %dma_start3A_33 = tpu.memref_squeeze %dma_start3A_32 : memref<1x200x128xf32, #tpu.memory_space<hbm>> -> memref<200x128xf32, #tpu.memory_space<hbm>>
          %dma_start3A_34 = arith.constant 0 : i32
          %dma_start3A_35 = tpu.memref_slice %arg11[%mul3A_31, %dma_start3A_34] : memref<10000x128xf32, #tpu.memory_space<vmem_shared>> -> memref<200x128xf32, #tpu.memory_space<vmem_shared>>
          tpu.enqueue_dma source(%dma_start3A_35 : memref<200x128xf32, #tpu.memory_space<vmem_shared>>) target(%dma_start3A_33 : memref<200x128xf32, #tpu.memory_space<hbm>>) target_semaphore(%run_scoped3A : memref<!tpu.dma_semaphore, #tpu.memory_space<semaphore_mem>>)
          %dma_wait3A = arith.constant 0 : i32
          %dma_wait3A_36 = tpu.memref_slice %arg6[%arg0, %mul3A_31, %dma_wait3A] : memref<2x10000x128xf32, #tpu.memory_space<hbm>> -> memref<1x200x128xf32, #tpu.memory_space<hbm>>
          %dma_wait3A_37 = tpu.memref_squeeze %dma_wait3A_36 : memref<1x200x128xf32, #tpu.memory_space<hbm>> -> memref<200x128xf32, #tpu.memory_space<hbm>>
          %dma_wait3A_38 = arith.constant 0 : i32
          %dma_wait3A_39 = tpu.memref_slice %arg11[%mul3A_31, %dma_wait3A_38] : memref<10000x128xf32, #tpu.memory_space<vmem_shared>> -> memref<200x128xf32, #tpu.memory_space<vmem_shared>>
          tpu.wait_dma2 semaphore(%run_scoped3A : memref<!tpu.dma_semaphore, #tpu.memory_space<semaphore_mem>>) src(%dma_wait3A_39 : memref<200x128xf32, #tpu.memory_space<vmem_shared>>) dst(%dma_wait3A_37 : memref<200x128xf32, #tpu.memory_space<hbm>>)
          tpu.yield
        }) : () -> ()
      } else {
      }
      %scan3A_29 = arith.constant 0 : i32
      scf.yield %scan3A_29 : i32
    }
    %scan3A_21 = arith.constant 4 : i32
    return
  }
}

#map = affine_map<(d0, d1) -> (0, 0, 0, 0)>
#map1 = affine_map<(d0, d1) -> (0, 0)>
#map2 = affine_map<(d0, d1) -> (0, 0, 0)>
module attributes {stable_mosaic.version = 14 : i64} {
  func.func @deg_kernel(%arg0: i32, %arg1: i32, %arg2: memref<32x25x5x80xi32, #tpu.memory_space<hbm>>, %arg3: memref<80x128xf32, #tpu.memory_space<hbm>>, %arg4: memref<200x128xf32, #tpu.memory_space<hbm>>, %arg5: memref<2x10000x128xf32, #tpu.memory_space<hbm>>, %arg6: memref<5x80xi32, #tpu.memory_space<vmem>>, %arg7: memref<80x128xf32, #tpu.memory_space<vmem>>, %arg8: memref<200x128xf32, #tpu.memory_space<vmem>>, %arg9: memref<10000x128xf32, #tpu.memory_space<vmem_shared>>, %arg10: memref<!tpu.dma_semaphore, #tpu.memory_space<semaphore_mem>>) attributes {dimension_semantics = [#tpu.dimension_semantics<core_parallel>, #tpu.dimension_semantics<subcore_parallel>], iteration_bounds = array<i64: 2, 16>, scalar_prefetch = 0 : i64, scratch_operands = 5 : i64, tpu.core_type = #tpu.core_type<sc_vector_subcore>, window_params = [{transform_indices = #map}, {transform_indices = #map1}, {transform_indices = #map1}, {transform_indices = #map2}]} {
    %mul3A = arith.constant 2 : i32
    %mul3A_0 = arith.muli %arg1, %mul3A : i32
    %add3A = arith.addi %mul3A_0, %arg0 : i32
    "tpu.region"() ({
      %run_scoped3A = tpu.sem_alloc : memref<!tpu.dma_semaphore, #tpu.memory_space<semaphore_mem>>
      tpu.enqueue_dma source(%arg3 : memref<80x128xf32, #tpu.memory_space<hbm>>) target(%arg7 : memref<80x128xf32, #tpu.memory_space<vmem>>) target_semaphore(%run_scoped3A : memref<!tpu.dma_semaphore, #tpu.memory_space<semaphore_mem>>)
      tpu.wait_dma2 semaphore(%run_scoped3A : memref<!tpu.dma_semaphore, #tpu.memory_space<semaphore_mem>>) src(%arg3 : memref<80x128xf32, #tpu.memory_space<hbm>>) dst(%arg7 : memref<80x128xf32, #tpu.memory_space<vmem>>)
      tpu.yield
    }) : () -> ()
    "tpu.region"() ({
      %run_scoped3A = tpu.sem_alloc : memref<!tpu.dma_semaphore, #tpu.memory_space<semaphore_mem>>
      tpu.enqueue_dma source(%arg4 : memref<200x128xf32, #tpu.memory_space<hbm>>) target(%arg8 : memref<200x128xf32, #tpu.memory_space<vmem>>) target_semaphore(%run_scoped3A : memref<!tpu.dma_semaphore, #tpu.memory_space<semaphore_mem>>)
      tpu.wait_dma2 semaphore(%run_scoped3A : memref<!tpu.dma_semaphore, #tpu.memory_space<semaphore_mem>>) src(%arg4 : memref<200x128xf32, #tpu.memory_space<hbm>>) dst(%arg8 : memref<200x128xf32, #tpu.memory_space<vmem>>)
      tpu.yield
    }) : () -> ()
    %scan3A = arith.constant 0 : i32
    %scan3A_1 = arith.constant 0 : i32
    %scan3A_2 = arith.constant 4 : i32
    %scan3A_3 = arith.addi %scan3A_1, %scan3A_2 : i32
    %scan3A_4 = arith.constant 1 : i32
    %scan3A_5 = scf.for %scan3A_22 = %scan3A_1 to %scan3A_3 step %scan3A_4 iter_args(%scan3A_23 = %scan3A) -> (i32)  : i32 {
      %mul3A_24 = arith.constant 16 : i32
      %mul3A_25 = arith.muli %mul3A_24, %scan3A_22 : i32
      %add3A_26 = arith.addi %arg1, %mul3A_25 : i32
      %lt3A = arith.constant 50 : i32
      %lt3A_27 = arith.cmpi slt, %add3A_26, %lt3A : i32
      %convert_element_type3A = arith.extui %lt3A_27 : i1 to i32
      %cond3A = arith.constant 0 : i32
      %cond3A_28 = arith.cmpi ne, %convert_element_type3A, %cond3A : i32
      scf.if %cond3A_28 {
        %mul3A_30 = arith.constant 200 : i32
        %mul3A_31 = arith.muli %mul3A_30, %add3A_26 : i32
        "tpu.region"() ({
          %run_scoped3A = tpu.sem_alloc : memref<!tpu.dma_semaphore, #tpu.memory_space<semaphore_mem>>
          %dma_start3A = arith.constant 0 : i32
          %dma_start3A_32 = tpu.memref_slice %arg9[%mul3A_31, %dma_start3A] : memref<10000x128xf32, #tpu.memory_space<vmem_shared>> -> memref<200x128xf32, #tpu.memory_space<vmem_shared>>
          %dma_start3A_33 = arith.constant 0 : i32
          %dma_start3A_34 = tpu.memref_slice %arg9[%mul3A_31, %dma_start3A_33] : memref<10000x128xf32, #tpu.memory_space<vmem_shared>> -> memref<200x128xf32, #tpu.memory_space<vmem_shared>>
          tpu.enqueue_dma source(%arg8 : memref<200x128xf32, #tpu.memory_space<vmem>>) target(%dma_start3A_34 : memref<200x128xf32, #tpu.memory_space<vmem_shared>>) target_semaphore(%run_scoped3A : memref<!tpu.dma_semaphore, #tpu.memory_space<semaphore_mem>>)
          %dma_wait3A = arith.constant 0 : i32
          %dma_wait3A_35 = tpu.memref_slice %arg9[%mul3A_31, %dma_wait3A] : memref<10000x128xf32, #tpu.memory_space<vmem_shared>> -> memref<200x128xf32, #tpu.memory_space<vmem_shared>>
          %dma_wait3A_36 = arith.constant 0 : i32
          %dma_wait3A_37 = tpu.memref_slice %arg9[%mul3A_31, %dma_wait3A_36] : memref<10000x128xf32, #tpu.memory_space<vmem_shared>> -> memref<200x128xf32, #tpu.memory_space<vmem_shared>>
          tpu.wait_dma2 semaphore(%run_scoped3A : memref<!tpu.dma_semaphore, #tpu.memory_space<semaphore_mem>>) src(%arg8 : memref<200x128xf32, #tpu.memory_space<vmem>>) dst(%dma_wait3A_37 : memref<200x128xf32, #tpu.memory_space<vmem_shared>>)
          tpu.yield
        }) : () -> ()
      } else {
      }
      %scan3A_29 = arith.constant 0 : i32
      scf.yield %scan3A_29 : i32
    }
    %scan3A_6 = arith.constant 4 : i32
    %barrier3A = arith.constant 0 : index
    tpu.barrier barrier_id(%barrier3A)
    %scan3A_7 = arith.constant 0 : i32
    %scan3A_8 = arith.constant 0 : i32
    %scan3A_9 = arith.constant 25 : i32
    %scan3A_10 = arith.addi %scan3A_8, %scan3A_9 : i32
    %scan3A_11 = arith.constant 1 : i32
    %scan3A_12 = scf.for %scan3A_22 = %scan3A_8 to %scan3A_10 step %scan3A_11 iter_args(%scan3A_23 = %scan3A_7) -> (i32)  : i32 {
      "tpu.region"() ({
        %run_scoped3A = tpu.sem_alloc : memref<!tpu.dma_semaphore, #tpu.memory_space<semaphore_mem>>
        %dma_start3A_93 = arith.constant 0 : i32
        %dma_start3A_94 = arith.constant 0 : i32
        %dma_start3A_95 = tpu.memref_slice %arg2[%add3A, %scan3A_22, %dma_start3A_93, %dma_start3A_94] : memref<32x25x5x80xi32, #tpu.memory_space<hbm>> -> memref<1x1x5x80xi32, #tpu.memory_space<hbm>>
        %dma_start3A_96 = tpu.memref_squeeze %dma_start3A_95 : memref<1x1x5x80xi32, #tpu.memory_space<hbm>> -> memref<5x80xi32, #tpu.memory_space<hbm>>
        %dma_start3A_97 = arith.constant 0 : i32
        %dma_start3A_98 = arith.constant 0 : i32
        %dma_start3A_99 = tpu.memref_slice %arg2[%add3A, %scan3A_22, %dma_start3A_97, %dma_start3A_98] : memref<32x25x5x80xi32, #tpu.memory_space<hbm>> -> memref<1x1x5x80xi32, #tpu.memory_space<hbm>>
        %dma_start3A_100 = tpu.memref_squeeze %dma_start3A_99 : memref<1x1x5x80xi32, #tpu.memory_space<hbm>> -> memref<5x80xi32, #tpu.memory_space<hbm>>
        tpu.enqueue_dma source(%dma_start3A_100 : memref<5x80xi32, #tpu.memory_space<hbm>>) target(%arg6 : memref<5x80xi32, #tpu.memory_space<vmem>>) target_semaphore(%run_scoped3A : memref<!tpu.dma_semaphore, #tpu.memory_space<semaphore_mem>>)
        %dma_wait3A_101 = arith.constant 0 : i32
        %dma_wait3A_102 = arith.constant 0 : i32
        %dma_wait3A_103 = tpu.memref_slice %arg2[%add3A, %scan3A_22, %dma_wait3A_101, %dma_wait3A_102] : memref<32x25x5x80xi32, #tpu.memory_space<hbm>> -> memref<1x1x5x80xi32, #tpu.memory_space<hbm>>
        %dma_wait3A_104 = tpu.memref_squeeze %dma_wait3A_103 : memref<1x1x5x80xi32, #tpu.memory_space<hbm>> -> memref<5x80xi32, #tpu.memory_space<hbm>>
        %dma_wait3A_105 = arith.constant 0 : i32
        %dma_wait3A_106 = arith.constant 0 : i32
        %dma_wait3A_107 = tpu.memref_slice %arg2[%add3A, %scan3A_22, %dma_wait3A_105, %dma_wait3A_106] : memref<32x25x5x80xi32, #tpu.memory_space<hbm>> -> memref<1x1x5x80xi32, #tpu.memory_space<hbm>>
        %dma_wait3A_108 = tpu.memref_squeeze %dma_wait3A_107 : memref<1x1x5x80xi32, #tpu.memory_space<hbm>> -> memref<5x80xi32, #tpu.memory_space<hbm>>
        tpu.wait_dma2 semaphore(%run_scoped3A : memref<!tpu.dma_semaphore, #tpu.memory_space<semaphore_mem>>) src(%dma_wait3A_108 : memref<5x80xi32, #tpu.memory_space<hbm>>) dst(%arg6 : memref<5x80xi32, #tpu.memory_space<vmem>>)
        tpu.yield
      }) : () -> ()
      %dma_start3A = arith.constant 0 : i32
      %dma_start3A_24 = arith.constant 0 : i32
      %dma_start3A_25 = tpu.memref_slice %arg6[%dma_start3A, %dma_start3A_24] : memref<5x80xi32, #tpu.memory_space<vmem>> -> memref<1x80xi32, #tpu.memory_space<vmem>>
      %dma_start3A_26 = tpu.memref_squeeze %dma_start3A_25 : memref<1x80xi32, #tpu.memory_space<vmem>> -> memref<80xi32, #tpu.memory_space<vmem>>
      %dma_start3A_27 = arith.constant 0 : i32
      %dma_start3A_28 = arith.constant 0 : i32
      %dma_start3A_29 = tpu.memref_slice %arg9[%dma_start3A_27, %dma_start3A_28] : memref<10000x128xf32, #tpu.memory_space<vmem_shared>> -> memref<10000x128xf32, #tpu.memory_space<vmem_shared>>
      tpu.enqueue_indirect_dma source(%arg7 : memref<80x128xf32, #tpu.memory_space<vmem>>) target(%dma_start3A_29 : memref<10000x128xf32, #tpu.memory_space<vmem_shared>>) offsets(%dma_start3A_26 : memref<80xi32, #tpu.memory_space<vmem>>) semaphore(%arg10 : memref<!tpu.dma_semaphore, #tpu.memory_space<semaphore_mem>>) {add = true}
      %dma_start3A_30 = arith.constant 1 : i32
      %dma_start3A_31 = arith.constant 0 : i32
      %dma_start3A_32 = tpu.memref_slice %arg6[%dma_start3A_30, %dma_start3A_31] : memref<5x80xi32, #tpu.memory_space<vmem>> -> memref<1x80xi32, #tpu.memory_space<vmem>>
      %dma_start3A_33 = tpu.memref_squeeze %dma_start3A_32 : memref<1x80xi32, #tpu.memory_space<vmem>> -> memref<80xi32, #tpu.memory_space<vmem>>
      %dma_start3A_34 = arith.constant 0 : i32
      %dma_start3A_35 = arith.constant 0 : i32
      %dma_start3A_36 = tpu.memref_slice %arg9[%dma_start3A_34, %dma_start3A_35] : memref<10000x128xf32, #tpu.memory_space<vmem_shared>> -> memref<10000x128xf32, #tpu.memory_space<vmem_shared>>
      tpu.enqueue_indirect_dma source(%arg7 : memref<80x128xf32, #tpu.memory_space<vmem>>) target(%dma_start3A_36 : memref<10000x128xf32, #tpu.memory_space<vmem_shared>>) offsets(%dma_start3A_33 : memref<80xi32, #tpu.memory_space<vmem>>) semaphore(%arg10 : memref<!tpu.dma_semaphore, #tpu.memory_space<semaphore_mem>>) {add = true}
      %dma_start3A_37 = arith.constant 2 : i32
      %dma_start3A_38 = arith.constant 0 : i32
      %dma_start3A_39 = tpu.memref_slice %arg6[%dma_start3A_37, %dma_start3A_38] : memref<5x80xi32, #tpu.memory_space<vmem>> -> memref<1x80xi32, #tpu.memory_space<vmem>>
      %dma_start3A_40 = tpu.memref_squeeze %dma_start3A_39 : memref<1x80xi32, #tpu.memory_space<vmem>> -> memref<80xi32, #tpu.memory_space<vmem>>
      %dma_start3A_41 = arith.constant 0 : i32
      %dma_start3A_42 = arith.constant 0 : i32
      %dma_start3A_43 = tpu.memref_slice %arg9[%dma_start3A_41, %dma_start3A_42] : memref<10000x128xf32, #tpu.memory_space<vmem_shared>> -> memref<10000x128xf32, #tpu.memory_space<vmem_shared>>
      tpu.enqueue_indirect_dma source(%arg7 : memref<80x128xf32, #tpu.memory_space<vmem>>) target(%dma_start3A_43 : memref<10000x128xf32, #tpu.memory_space<vmem_shared>>) offsets(%dma_start3A_40 : memref<80xi32, #tpu.memory_space<vmem>>) semaphore(%arg10 : memref<!tpu.dma_semaphore, #tpu.memory_space<semaphore_mem>>) {add = true}
      %dma_start3A_44 = arith.constant 3 : i32
      %dma_start3A_45 = arith.constant 0 : i32
      %dma_start3A_46 = tpu.memref_slice %arg6[%dma_start3A_44, %dma_start3A_45] : memref<5x80xi32, #tpu.memory_space<vmem>> -> memref<1x80xi32, #tpu.memory_space<vmem>>
      %dma_start3A_47 = tpu.memref_squeeze %dma_start3A_46 : memref<1x80xi32, #tpu.memory_space<vmem>> -> memref<80xi32, #tpu.memory_space<vmem>>
      %dma_start3A_48 = arith.constant 0 : i32
      %dma_start3A_49 = arith.constant 0 : i32
      %dma_start3A_50 = tpu.memref_slice %arg9[%dma_start3A_48, %dma_start3A_49] : memref<10000x128xf32, #tpu.memory_space<vmem_shared>> -> memref<10000x128xf32, #tpu.memory_space<vmem_shared>>
      tpu.enqueue_indirect_dma source(%arg7 : memref<80x128xf32, #tpu.memory_space<vmem>>) target(%dma_start3A_50 : memref<10000x128xf32, #tpu.memory_space<vmem_shared>>) offsets(%dma_start3A_47 : memref<80xi32, #tpu.memory_space<vmem>>) semaphore(%arg10 : memref<!tpu.dma_semaphore, #tpu.memory_space<semaphore_mem>>) {add = true}
      %dma_start3A_51 = arith.constant 4 : i32
      %dma_start3A_52 = arith.constant 0 : i32
      %dma_start3A_53 = tpu.memref_slice %arg6[%dma_start3A_51, %dma_start3A_52] : memref<5x80xi32, #tpu.memory_space<vmem>> -> memref<1x80xi32, #tpu.memory_space<vmem>>
      %dma_start3A_54 = tpu.memref_squeeze %dma_start3A_53 : memref<1x80xi32, #tpu.memory_space<vmem>> -> memref<80xi32, #tpu.memory_space<vmem>>
      %dma_start3A_55 = arith.constant 0 : i32
      %dma_start3A_56 = arith.constant 0 : i32
      %dma_start3A_57 = tpu.memref_slice %arg9[%dma_start3A_55, %dma_start3A_56] : memref<10000x128xf32, #tpu.memory_space<vmem_shared>> -> memref<10000x128xf32, #tpu.memory_space<vmem_shared>>
      tpu.enqueue_indirect_dma source(%arg7 : memref<80x128xf32, #tpu.memory_space<vmem>>) target(%dma_start3A_57 : memref<10000x128xf32, #tpu.memory_space<vmem_shared>>) offsets(%dma_start3A_54 : memref<80xi32, #tpu.memory_space<vmem>>) semaphore(%arg10 : memref<!tpu.dma_semaphore, #tpu.memory_space<semaphore_mem>>) {add = true}
      %dma_wait3A = arith.constant 0 : i32
      %dma_wait3A_58 = arith.constant 0 : i32
      %dma_wait3A_59 = tpu.memref_slice %arg6[%dma_wait3A, %dma_wait3A_58] : memref<5x80xi32, #tpu.memory_space<vmem>> -> memref<1x80xi32, #tpu.memory_space<vmem>>
      %dma_wait3A_60 = tpu.memref_squeeze %dma_wait3A_59 : memref<1x80xi32, #tpu.memory_space<vmem>> -> memref<80xi32, #tpu.memory_space<vmem>>
      %dma_wait3A_61 = arith.constant 0 : i32
      %dma_wait3A_62 = arith.constant 0 : i32
      %dma_wait3A_63 = tpu.memref_slice %arg9[%dma_wait3A_61, %dma_wait3A_62] : memref<10000x128xf32, #tpu.memory_space<vmem_shared>> -> memref<10000x128xf32, #tpu.memory_space<vmem_shared>>
      tpu.wait_indirect_dma semaphore(%arg10 : memref<!tpu.dma_semaphore, #tpu.memory_space<semaphore_mem>>) src(%arg7 : memref<80x128xf32, #tpu.memory_space<vmem>>) dst(%dma_wait3A_63 : memref<10000x128xf32, #tpu.memory_space<vmem_shared>>)
      %dma_wait3A_64 = arith.constant 1 : i32
      %dma_wait3A_65 = arith.constant 0 : i32
      %dma_wait3A_66 = tpu.memref_slice %arg6[%dma_wait3A_64, %dma_wait3A_65] : memref<5x80xi32, #tpu.memory_space<vmem>> -> memref<1x80xi32, #tpu.memory_space<vmem>>
      %dma_wait3A_67 = tpu.memref_squeeze %dma_wait3A_66 : memref<1x80xi32, #tpu.memory_space<vmem>> -> memref<80xi32, #tpu.memory_space<vmem>>
      %dma_wait3A_68 = arith.constant 0 : i32
      %dma_wait3A_69 = arith.constant 0 : i32
      %dma_wait3A_70 = tpu.memref_slice %arg9[%dma_wait3A_68, %dma_wait3A_69] : memref<10000x128xf32, #tpu.memory_space<vmem_shared>> -> memref<10000x128xf32, #tpu.memory_space<vmem_shared>>
      tpu.wait_indirect_dma semaphore(%arg10 : memref<!tpu.dma_semaphore, #tpu.memory_space<semaphore_mem>>) src(%arg7 : memref<80x128xf32, #tpu.memory_space<vmem>>) dst(%dma_wait3A_70 : memref<10000x128xf32, #tpu.memory_space<vmem_shared>>)
      %dma_wait3A_71 = arith.constant 2 : i32
      %dma_wait3A_72 = arith.constant 0 : i32
      %dma_wait3A_73 = tpu.memref_slice %arg6[%dma_wait3A_71, %dma_wait3A_72] : memref<5x80xi32, #tpu.memory_space<vmem>> -> memref<1x80xi32, #tpu.memory_space<vmem>>
      %dma_wait3A_74 = tpu.memref_squeeze %dma_wait3A_73 : memref<1x80xi32, #tpu.memory_space<vmem>> -> memref<80xi32, #tpu.memory_space<vmem>>
      %dma_wait3A_75 = arith.constant 0 : i32
      %dma_wait3A_76 = arith.constant 0 : i32
      %dma_wait3A_77 = tpu.memref_slice %arg9[%dma_wait3A_75, %dma_wait3A_76] : memref<10000x128xf32, #tpu.memory_space<vmem_shared>> -> memref<10000x128xf32, #tpu.memory_space<vmem_shared>>
      tpu.wait_indirect_dma semaphore(%arg10 : memref<!tpu.dma_semaphore, #tpu.memory_space<semaphore_mem>>) src(%arg7 : memref<80x128xf32, #tpu.memory_space<vmem>>) dst(%dma_wait3A_77 : memref<10000x128xf32, #tpu.memory_space<vmem_shared>>)
      %dma_wait3A_78 = arith.constant 3 : i32
      %dma_wait3A_79 = arith.constant 0 : i32
      %dma_wait3A_80 = tpu.memref_slice %arg6[%dma_wait3A_78, %dma_wait3A_79] : memref<5x80xi32, #tpu.memory_space<vmem>> -> memref<1x80xi32, #tpu.memory_space<vmem>>
      %dma_wait3A_81 = tpu.memref_squeeze %dma_wait3A_80 : memref<1x80xi32, #tpu.memory_space<vmem>> -> memref<80xi32, #tpu.memory_space<vmem>>
      %dma_wait3A_82 = arith.constant 0 : i32
      %dma_wait3A_83 = arith.constant 0 : i32
      %dma_wait3A_84 = tpu.memref_slice %arg9[%dma_wait3A_82, %dma_wait3A_83] : memref<10000x128xf32, #tpu.memory_space<vmem_shared>> -> memref<10000x128xf32, #tpu.memory_space<vmem_shared>>
      tpu.wait_indirect_dma semaphore(%arg10 : memref<!tpu.dma_semaphore, #tpu.memory_space<semaphore_mem>>) src(%arg7 : memref<80x128xf32, #tpu.memory_space<vmem>>) dst(%dma_wait3A_84 : memref<10000x128xf32, #tpu.memory_space<vmem_shared>>)
      %dma_wait3A_85 = arith.constant 4 : i32
      %dma_wait3A_86 = arith.constant 0 : i32
      %dma_wait3A_87 = tpu.memref_slice %arg6[%dma_wait3A_85, %dma_wait3A_86] : memref<5x80xi32, #tpu.memory_space<vmem>> -> memref<1x80xi32, #tpu.memory_space<vmem>>
      %dma_wait3A_88 = tpu.memref_squeeze %dma_wait3A_87 : memref<1x80xi32, #tpu.memory_space<vmem>> -> memref<80xi32, #tpu.memory_space<vmem>>
      %dma_wait3A_89 = arith.constant 0 : i32
      %dma_wait3A_90 = arith.constant 0 : i32
      %dma_wait3A_91 = tpu.memref_slice %arg9[%dma_wait3A_89, %dma_wait3A_90] : memref<10000x128xf32, #tpu.memory_space<vmem_shared>> -> memref<10000x128xf32, #tpu.memory_space<vmem_shared>>
      tpu.wait_indirect_dma semaphore(%arg10 : memref<!tpu.dma_semaphore, #tpu.memory_space<semaphore_mem>>) src(%arg7 : memref<80x128xf32, #tpu.memory_space<vmem>>) dst(%dma_wait3A_91 : memref<10000x128xf32, #tpu.memory_space<vmem_shared>>)
      %scan3A_92 = arith.constant 0 : i32
      scf.yield %scan3A_92 : i32
    }
    %scan3A_13 = arith.constant 25 : i32
    %barrier3A_14 = arith.constant 0 : index
    tpu.barrier barrier_id(%barrier3A_14)
    %scan3A_15 = arith.constant 0 : i32
    %scan3A_16 = arith.constant 0 : i32
    %scan3A_17 = arith.constant 4 : i32
    %scan3A_18 = arith.addi %scan3A_16, %scan3A_17 : i32
    %scan3A_19 = arith.constant 1 : i32
    %scan3A_20 = scf.for %scan3A_22 = %scan3A_16 to %scan3A_18 step %scan3A_19 iter_args(%scan3A_23 = %scan3A_15) -> (i32)  : i32 {
      %mul3A_24 = arith.constant 16 : i32
      %mul3A_25 = arith.muli %mul3A_24, %scan3A_22 : i32
      %add3A_26 = arith.addi %arg1, %mul3A_25 : i32
      %lt3A = arith.constant 50 : i32
      %lt3A_27 = arith.cmpi slt, %add3A_26, %lt3A : i32
      %convert_element_type3A = arith.extui %lt3A_27 : i1 to i32
      %cond3A = arith.constant 0 : i32
      %cond3A_28 = arith.cmpi ne, %convert_element_type3A, %cond3A : i32
      scf.if %cond3A_28 {
        %mul3A_30 = arith.constant 200 : i32
        %mul3A_31 = arith.muli %mul3A_30, %add3A_26 : i32
        "tpu.region"() ({
          %run_scoped3A = tpu.sem_alloc : memref<!tpu.dma_semaphore, #tpu.memory_space<semaphore_mem>>
          %dma_start3A = arith.constant 0 : i32
          %dma_start3A_32 = tpu.memref_slice %arg5[%arg0, %mul3A_31, %dma_start3A] : memref<2x10000x128xf32, #tpu.memory_space<hbm>> -> memref<1x200x128xf32, #tpu.memory_space<hbm>>
          %dma_start3A_33 = tpu.memref_squeeze %dma_start3A_32 : memref<1x200x128xf32, #tpu.memory_space<hbm>> -> memref<200x128xf32, #tpu.memory_space<hbm>>
          %dma_start3A_34 = arith.constant 0 : i32
          %dma_start3A_35 = tpu.memref_slice %arg9[%mul3A_31, %dma_start3A_34] : memref<10000x128xf32, #tpu.memory_space<vmem_shared>> -> memref<200x128xf32, #tpu.memory_space<vmem_shared>>
          tpu.enqueue_dma source(%dma_start3A_35 : memref<200x128xf32, #tpu.memory_space<vmem_shared>>) target(%dma_start3A_33 : memref<200x128xf32, #tpu.memory_space<hbm>>) target_semaphore(%run_scoped3A : memref<!tpu.dma_semaphore, #tpu.memory_space<semaphore_mem>>)
          %dma_wait3A = arith.constant 0 : i32
          %dma_wait3A_36 = tpu.memref_slice %arg5[%arg0, %mul3A_31, %dma_wait3A] : memref<2x10000x128xf32, #tpu.memory_space<hbm>> -> memref<1x200x128xf32, #tpu.memory_space<hbm>>
          %dma_wait3A_37 = tpu.memref_squeeze %dma_wait3A_36 : memref<1x200x128xf32, #tpu.memory_space<hbm>> -> memref<200x128xf32, #tpu.memory_space<hbm>>
          %dma_wait3A_38 = arith.constant 0 : i32
          %dma_wait3A_39 = tpu.memref_slice %arg9[%mul3A_31, %dma_wait3A_38] : memref<10000x128xf32, #tpu.memory_space<vmem_shared>> -> memref<200x128xf32, #tpu.memory_space<vmem_shared>>
          tpu.wait_dma2 semaphore(%run_scoped3A : memref<!tpu.dma_semaphore, #tpu.memory_space<semaphore_mem>>) src(%dma_wait3A_39 : memref<200x128xf32, #tpu.memory_space<vmem_shared>>) dst(%dma_wait3A_37 : memref<200x128xf32, #tpu.memory_space<hbm>>)
          tpu.yield
        }) : () -> ()
      } else {
      }
      %scan3A_29 = arith.constant 0 : i32
      scf.yield %scan3A_29 : i32
    }
    %scan3A_21 = arith.constant 4 : i32
    return
  }
}

module attributes {stable_mosaic.version = 14 : i64} {
  func.func @body(%arg0: i32, %arg1: memref<1000x128xf32, #tpu.memory_space<vmem>>, %arg2: memref<128x128xf32, #tpu.memory_space<vmem>>, %arg3: memref<1000x128xf32, #tpu.memory_space<vmem>>) attributes {dimension_semantics = [#tpu.dimension_semantics<arbitrary>], iteration_bounds = array<i64: 10>, scalar_prefetch = 0 : i64, scratch_operands = 0 : i64, tpu.core_type = #tpu.core_type<tc>, window_params = [{transform_indices = @transform_0, window_bounds = array<i64: 1000, 128>}, {pipeline_mode = #tpu.pipeline_mode<synchronous>, transform_indices = @transform_1, window_bounds = array<i64: 128, 128>}, {transform_indices = @transform_2, window_bounds = array<i64: 1000, 128>}]} {
    %get3A = arith.constant 0 : index
    %get3A_0 = arith.constant 0 : index
    %get3A_1 = vector.load %arg1[%get3A, %get3A_0] : memref<1000x128xf32, #tpu.memory_space<vmem>>, vector<1000x128xf32>
    %get3A_2 = arith.constant 0 : index
    %get3A_3 = arith.constant 0 : index
    %get3A_4 = vector.load %arg2[%get3A_2, %get3A_3] : memref<128x128xf32, #tpu.memory_space<vmem>>, vector<128x128xf32>
    %dot_general3A = arith.constant dense<0.000000e+00> : vector<1000x128xf32>
    %dot_general3A_5 = tpu.matmul %get3A_1, %get3A_4, %dot_general3A {dimension_numbers = #tpu.dot_dimension_numbers<[1], [0], [0], [1], [0, 0, 1, 1], [], []>, transpose_lhs_hint = false} : vector<1000x128xf32>, vector<128x128xf32>, vector<1000x128xf32> -> vector<1000x128xf32>
    %swap3A = arith.constant 0 : index
    %swap3A_6 = arith.constant 0 : index
    %swap3A_7 = vector.load %arg3[%swap3A, %swap3A_6] : memref<1000x128xf32, #tpu.memory_space<vmem>>, vector<1000x128xf32>
    tpu.vector_store %arg3[%swap3A, %swap3A_6], %dot_general3A_5 {strides = array<i32>} : memref<1000x128xf32, #tpu.memory_space<vmem>>, vector<1000x128xf32>,
    return
  }
  func.func @transform_0(%arg0: i32) -> (i32, i32) {
    %c0_i32 = arith.constant 0 : i32
    %c0_i32_0 = arith.constant 0 : i32
    return %arg0, %c0_i32 : i32, i32
  }
  func.func @transform_1(%arg0: i32) -> (i32, i32) {
    %c0_i32 = arith.constant 0 : i32
    %c0_i32_0 = arith.constant 0 : i32
    %c0_i32_1 = arith.constant 0 : i32
    return %c0_i32, %c0_i32_0 : i32, i32
  }
  func.func @transform_2(%arg0: i32) -> (i32, i32) {
    %c0_i32 = arith.constant 0 : i32
    %c0_i32_0 = arith.constant 0 : i32
    return %arg0, %c0_i32 : i32, i32
  }
}

module attributes {stable_mosaic.version = 14 : i64} {
  func.func @body(%arg0: i32, %arg1: memref<1000x128xf32, #tpu.memory_space<vmem>>, %arg2: memref<2x1000x128xf32, #tpu.memory_space<vmem>>, %arg3: memref<1000x128xf32, #tpu.memory_space<vmem>>, %arg4: memref<1000x1xf32, #tpu.memory_space<vmem>>) attributes {dimension_semantics = [#tpu.dimension_semantics<arbitrary>], iteration_bounds = array<i64: 10>, scalar_prefetch = 0 : i64, scratch_operands = 0 : i64, tpu.core_type = #tpu.core_type<tc>, window_params = [{transform_indices = @transform_0, window_bounds = array<i64: 1000, 128>}, {transform_indices = @transform_1, window_bounds = array<i64: 2, 1000, 128>}, {transform_indices = @transform_2, window_bounds = array<i64: 1000, 128>}, {transform_indices = @transform_3, window_bounds = array<i64: 1000, 1>}]} {
    %get3A = arith.constant 0 : index
    %get3A_0 = arith.constant 0 : index
    %get3A_1 = arith.constant 0 : index
    %get3A_2 = vector.load %arg2[%get3A, %get3A_0, %get3A_1] : memref<2x1000x128xf32, #tpu.memory_space<vmem>>, vector<1x1000x128xf32>
    %get3A_3 = vector.shape_cast %get3A_2 : vector<1x1000x128xf32> to vector<1000x128xf32>
    %get3A_4 = arith.constant 1 : index
    %get3A_5 = arith.constant 0 : index
    %get3A_6 = arith.constant 0 : index
    %get3A_7 = vector.load %arg2[%get3A_4, %get3A_5, %get3A_6] : memref<2x1000x128xf32, #tpu.memory_space<vmem>>, vector<1x1000x128xf32>
    %get3A_8 = vector.shape_cast %get3A_7 : vector<1x1000x128xf32> to vector<1000x128xf32>
    %add3A = arith.addf %get3A_3, %get3A_8 : vector<1000x128xf32>
    %reduce_sum3A = arith.constant dense<0.000000e+00> : vector<1000xf32>
    %reduce_sum3A_9 = vector.multi_reduction <add>, %add3A, %reduce_sum3A [1] : vector<1000x128xf32> to vector<1000xf32>
    %broadcast_in_dim3A = vector.shape_cast %reduce_sum3A_9 : vector<1000xf32> to vector<1000x1xf32>
    %add3A_10 = arith.constant 1.000000e+00 : f32
    %add3A_11 = vector.broadcast %add3A_10 : f32 to vector<1000x1xf32>
    %add3A_12 = arith.addf %broadcast_in_dim3A, %add3A_11 : vector<1000x1xf32>
    %rsqrt3A = math.rsqrt %add3A_12 : vector<1000x1xf32>
    %get3A_13 = arith.constant 0 : index
    %get3A_14 = arith.constant 0 : index
    %get3A_15 = vector.load %arg1[%get3A_13, %get3A_14] : memref<1000x128xf32, #tpu.memory_space<vmem>>, vector<1000x128xf32>
    %mul3A = vector.broadcast %rsqrt3A : vector<1000x1xf32> to vector<1000x128xf32>
    %mul3A_16 = arith.mulf %get3A_15, %mul3A : vector<1000x128xf32>
    %swap3A = arith.constant 0 : index
    %swap3A_17 = arith.constant 0 : index
    %swap3A_18 = vector.load %arg3[%swap3A, %swap3A_17] : memref<1000x128xf32, #tpu.memory_space<vmem>>, vector<1000x128xf32>
    tpu.vector_store %arg3[%swap3A, %swap3A_17], %mul3A_16 {strides = array<i32>} : memref<1000x128xf32, #tpu.memory_space<vmem>>, vector<1000x128xf32>,
    %swap3A_19 = arith.constant 0 : index
    %swap3A_20 = arith.constant 0 : index
    %swap3A_21 = vector.load %arg4[%swap3A_19, %swap3A_20] : memref<1000x1xf32, #tpu.memory_space<vmem>>, vector<1000x1xf32>
    tpu.vector_store %arg4[%swap3A_19, %swap3A_20], %rsqrt3A {strides = array<i32>} : memref<1000x1xf32, #tpu.memory_space<vmem>>, vector<1000x1xf32>,
    return
  }
  func.func @transform_0(%arg0: i32) -> (i32, i32) {
    %c0_i32 = arith.constant 0 : i32
    %c0_i32_0 = arith.constant 0 : i32
    return %arg0, %c0_i32 : i32, i32
  }
  func.func @transform_1(%arg0: i32) -> (i32, i32, i32) {
    %c0_i32 = arith.constant 0 : i32
    %c0_i32_0 = arith.constant 0 : i32
    %c0_i32_1 = arith.constant 0 : i32
    return %c0_i32, %arg0, %c0_i32_0 : i32, i32, i32
  }
  func.func @transform_2(%arg0: i32) -> (i32, i32) {
    %c0_i32 = arith.constant 0 : i32
    %c0_i32_0 = arith.constant 0 : i32
    return %arg0, %c0_i32 : i32, i32
  }
  func.func @transform_3(%arg0: i32) -> (i32, i32) {
    %c0_i32 = arith.constant 0 : i32
    %c0_i32_0 = arith.constant 0 : i32
    return %arg0, %c0_i32 : i32, i32
  }
}

module attributes {stable_mosaic.version = 14 : i64} {
  func.func @body(%arg0: i32, %arg1: memref<2x1000x128xf32, #tpu.memory_space<vmem>>, %arg2: memref<1000x128xf32, #tpu.memory_space<vmem>>, %arg3: memref<1000x1xf32, #tpu.memory_space<vmem>>, %arg4: memref<1x128xf32, #tpu.memory_space<vmem>>, %arg5: memref<1000x128xf32, #tpu.memory_space<vmem>>) attributes {dimension_semantics = [#tpu.dimension_semantics<arbitrary>], iteration_bounds = array<i64: 10>, scalar_prefetch = 0 : i64, scratch_operands = 0 : i64, tpu.core_type = #tpu.core_type<tc>, window_params = [{transform_indices = @transform_0, window_bounds = array<i64: 2, 1000, 128>}, {transform_indices = @transform_1, window_bounds = array<i64: 1000, 128>}, {transform_indices = @transform_2, window_bounds = array<i64: 1000, 1>}, {pipeline_mode = #tpu.pipeline_mode<synchronous>, transform_indices = @transform_3, window_bounds = array<i64: 1, 128>}, {transform_indices = @transform_4, window_bounds = array<i64: 1000, 128>}]} {
    %get3A = arith.constant 0 : index
    %get3A_0 = arith.constant 0 : index
    %get3A_1 = arith.constant 0 : index
    %get3A_2 = vector.load %arg1[%get3A, %get3A_0, %get3A_1] : memref<2x1000x128xf32, #tpu.memory_space<vmem>>, vector<1x1000x128xf32>
    %get3A_3 = vector.shape_cast %get3A_2 : vector<1x1000x128xf32> to vector<1000x128xf32>
    %get3A_4 = arith.constant 1 : index
    %get3A_5 = arith.constant 0 : index
    %get3A_6 = arith.constant 0 : index
    %get3A_7 = vector.load %arg1[%get3A_4, %get3A_5, %get3A_6] : memref<2x1000x128xf32, #tpu.memory_space<vmem>>, vector<1x1000x128xf32>
    %get3A_8 = vector.shape_cast %get3A_7 : vector<1x1000x128xf32> to vector<1000x128xf32>
    %add3A = arith.addf %get3A_3, %get3A_8 : vector<1000x128xf32>
    %get3A_9 = arith.constant 0 : index
    %get3A_10 = arith.constant 0 : index
    %get3A_11 = vector.load %arg2[%get3A_9, %get3A_10] : memref<1000x128xf32, #tpu.memory_space<vmem>>, vector<1000x128xf32>
    %add3A_12 = arith.addf %add3A, %get3A_11 : vector<1000x128xf32>
    %get3A_13 = arith.constant 0 : index
    %get3A_14 = arith.constant 0 : index
    %get3A_15 = vector.load %arg3[%get3A_13, %get3A_14] : memref<1000x1xf32, #tpu.memory_space<vmem>>, vector<1000x1xf32>
    %mul3A = vector.broadcast %get3A_15 : vector<1000x1xf32> to vector<1000x128xf32>
    %mul3A_16 = arith.mulf %add3A_12, %mul3A : vector<1000x128xf32>
    %get3A_17 = arith.constant 0 : index
    %get3A_18 = arith.constant 0 : index
    %get3A_19 = vector.load %arg4[%get3A_17, %get3A_18] : memref<1x128xf32, #tpu.memory_space<vmem>>, vector<1x128xf32>
    %add3A_20 = vector.broadcast %get3A_19 : vector<1x128xf32> to vector<1000x128xf32>
    %add3A_21 = arith.addf %mul3A_16, %add3A_20 : vector<1000x128xf32>
    %max3A = arith.constant 0.000000e+00 : f32
    %max3A_22 = vector.broadcast %max3A : f32 to vector<1000x128xf32>
    %max3A_23 = arith.maximumf %add3A_21, %max3A_22 : vector<1000x128xf32>
    %swap3A = arith.constant 0 : index
    %swap3A_24 = arith.constant 0 : index
    %swap3A_25 = vector.load %arg5[%swap3A, %swap3A_24] : memref<1000x128xf32, #tpu.memory_space<vmem>>, vector<1000x128xf32>
    tpu.vector_store %arg5[%swap3A, %swap3A_24], %max3A_23 {strides = array<i32>} : memref<1000x128xf32, #tpu.memory_space<vmem>>, vector<1000x128xf32>,
    return
  }
  func.func @transform_0(%arg0: i32) -> (i32, i32, i32) {
    %c0_i32 = arith.constant 0 : i32
    %c0_i32_0 = arith.constant 0 : i32
    %c0_i32_1 = arith.constant 0 : i32
    return %c0_i32, %arg0, %c0_i32_0 : i32, i32, i32
  }
  func.func @transform_1(%arg0: i32) -> (i32, i32) {
    %c0_i32 = arith.constant 0 : i32
    %c0_i32_0 = arith.constant 0 : i32
    return %arg0, %c0_i32 : i32, i32
  }
  func.func @transform_2(%arg0: i32) -> (i32, i32) {
    %c0_i32 = arith.constant 0 : i32
    %c0_i32_0 = arith.constant 0 : i32
    return %arg0, %c0_i32 : i32, i32
  }
  func.func @transform_3(%arg0: i32) -> (i32, i32) {
    %c0_i32 = arith.constant 0 : i32
    %c0_i32_0 = arith.constant 0 : i32
    %c0_i32_1 = arith.constant 0 : i32
    return %c0_i32, %c0_i32_0 : i32, i32
  }
  func.func @transform_4(%arg0: i32) -> (i32, i32) {
    %c0_i32 = arith.constant 0 : i32
    %c0_i32_0 = arith.constant 0 : i32
    return %arg0, %c0_i32 : i32, i32
  }
}

</mosaic_0001>

<sc_bundles>
// kernel: kernel.10.cloned.1.call-start
scs
__scs_entry_jumppad:
0x0: {  	(pc) =	sbr.rel $0x88, $3  }
0x1: {  	(tag) =	ssettag $0x0;
	lr =	simm.s32 $0x1  }
0x2: {  	[smem:$0x3F9D] =	sst lr;
	_ =	strace $0xD0000000  }
0x3: {  	_ = 	snop  }
0x4: {  	_ = 	snop  }
0x5: {  	_ = 	snop  }
0x6: {  	_ = 	snop  }
0x7: {  	_ = 	snop  }
__scs_overlays_trampoline_lowered:
0x8: {  	[smem:$0x3FAC] =	sst s0  }
0x9: {  	[smem:$0x3FAD] =	sst s1  }
0xa: {  	[smem:$0x3FAE] =	sst s2  }
0xb: {  	[smem:$0x3FAF] =	sst s3  }
0xc: {  	[smem:$0x3FB0] =	sst s4  }
0xd: {  	[smem:$0x3FB1] =	sst s5  }
0xe: {  	[smem:$0x3FB2] =	sst s6  }
0xf: {  	[smem:$0x3FB3] =	sst s7  }
0x10: {  	[smem:$0x3FB4] =	sst s8  }
0x11: {  	[smem:$0x3FB5] =	sst s9;
	s0 =	simm.s32 @!p0 $0x0  }
0x12: {  	s1 =	sld [smem:$0x3F9B];
	s0 =	simm.s32 @p0 $0x1  }
0x13: {  	[smem:$0x3FB6] =	sst s0;
	s0 =	simm.s32 @!p1 $0x0  }
0x14: {  	s2 =	sld [smem:$0x3F9A];
	s0 =	simm.s32 @p1 $0x1  }
0x15: {  	[smem:$0x3FB7] =	sst s0;
	s0 =	simm.s32 @!p2 $0x0  }
0x16: {  	s3 =	sld [smem:$0x3FDB];
	s0 =	simm.s32 @p2 $0x1  }
0x17: {  	s4 =	simm.s32 $0x1BF5;
	[smem:$0x3FB9] =	sst s0  }
0x18: {  	s0 =	sld [smem:$0x3F9C];
	_ =	swait.ge [sflag:s4], $0x0  }
0x19: {  	s7 =	sld [smem:$0x3F9D]  }
0x1a: {  	s8 =	sadd.s32 $0xFFFFE003, lr  }
0x1b: {  	s9 =	sadd.s32 $0xFFFFFEF7, lr;
	s5 =	simm.s32 $0xFFFFFFFF;
	p2 =	slt.u32 s8, $0xFFFFF086  }
0x1c: {  	p1 =	slt.u32 s9, $0xF7A;
	s5 =	simm.s32 @!p2 $0x0  }
0x1d: {  	s5 =	simm.s32 @p1 $0x1;
	p0 =	seq.s32 s7, s2  }
0x1e: {  	s7 =	smul.u32 @!p0 $0xF7A, s2;
	p2 =	seq.s32 @!p0 s5, $0x0  }
0x1f: {  	s9 =	smul.u32 $0xF7A, s1;
	s8 =	simm.s32 @!p0 $0x1BF5;
	p2 =	por !p2, p0  }
0x20: {  	[sflag:s8] =	ssyncset.s32 @!p0 $0xFFFFF086;
	s6 =	sadd.s32 @!p0 s3, s7;
	s7 =	simm.s32 @!p0 $0x108  }
0x21: {  	s3 =	sadd.s32 s3, s9;
	s6 =	sadd.s32 @!p0 $0x88, s6;
	s7 =	simm.s32 @p2 $0x1082  }
0x22: {  	[simem:s7], [sflag:s8] =	dma.local @!p0 [hbm:s6], $0xF7A  }
0x23: {  	s9 =	sor.u32 $0xD0000000, s2;
	s6 =	simm.s32 $0x108;
	_ =	swait.ge @!p0 [sflag:s8], $0x0  }
0x24: {  	s3 =	sadd.s32 $0x88, s3;
	s6 =	simm.s32 @!p1 $0x1082;
	[sflag:s4] =	ssyncset.s32 $0xFFFFF086  }
0x25: {  	[simem:s6], [sflag:s4] =	dma.local [hbm:s3], $0xF7A  }
0x26: {  	[smem:$0x3F9D] =	sst s1;
	(tag) =	ssettag s2;
	_ =	strace s9  }
0x27: {  	s1 =	sld [smem:$0x3FAD]  }
0x28: {  	s2 =	sld [smem:$0x3FAE]  }
0x29: {  	s4 =	sld [smem:$0x3FB0]  }
0x2a: {  	p0 =	seq.s32 s5, $0x0;
	s5 =	sld [smem:$0x3FB1]  }
0x2b: {  	s6 =	sld [smem:$0x3FB2]  }
0x2c: {  	s7 =	sld [smem:$0x3FB3]  }
0x2d: {  	s3 =	simm.s32 $0x108;
	s8 =	sld [smem:$0x3FB4]  }
0x2e: {  	s3 =	simm.s32 @!p0 $0x1082;
	s9 =	sld [smem:$0x3FB5]  }
0x2f: {  	lr =	sadd.s32 s0, s3;
	s0 =	sld [smem:$0x3FAC]  }
0x30: {  	s3 =	sld [smem:$0x3FAF]  }
0x31: {  	[smem:$0x3FB8] =	sst s10  }
0x32: {  	s10 =	sld [smem:$0x3FB6];
	_ =	sdelay $0x3  }
0x33: {  	p0 =	seq.s32 s10, $0x1;
	s10 =	sld [smem:$0x3FB8];
	_ =	sdelay $0x3  }
0x34: {  	[smem:$0x3FB8] =	sst s10  }
0x35: {  	s10 =	sld [smem:$0x3FB7];
	_ =	sdelay $0x3  }
0x36: {  	p1 =	seq.s32 s10, $0x1;
	s10 =	sld [smem:$0x3FB8];
	_ =	sdelay $0x3  }
0x37: {  	[smem:$0x3FB8] =	sst s10  }
0x38: {  	s10 =	sld [smem:$0x3FB9]  }
0x39: {  	_ = 	snop;
	(pc) =	sbr.ind lr, $3  }
0x3a: {  	_ = 	snop  }
0x3b: {  	_ = 	snop  }
0x3c: {  	p2 =	seq.s32 s10, $0x1;
	s10 =	sld [smem:$0x3FB8]  }
0x3d: {  	_ =	shalt  }
0x3e: {  	_ =	shalt  }
0x3f: {  	_ =	shalt  }
0x40: {  	_ =	shalt  }
0x41: {  	_ =	shalt  }
0x42: {  	_ =	shalt  }
0x43: {  	_ =	shalt  }
0x44: {  	_ =	shalt  }
0x45: {  	_ =	shalt  }
0x46: {  	_ =	shalt  }
0x47: {  	_ =	shalt  }
0x48: {  	_ =	shalt  }
0x49: {  	_ =	shalt  }
0x4a: {  	_ =	shalt  }
0x4b: {  	_ =	shalt  }
0x4c: {  	_ =	shalt  }
0x4d: {  	_ =	shalt  }
0x4e: {  	_ =	shalt  }
0x4f: {  	_ =	shalt  }
0x50: {  	_ =	shalt  }
0x51: {  	_ =	shalt  }
0x52: {  	_ =	shalt  }
0x53: {  	_ =	shalt  }
0x54: {  	_ =	shalt  }
0x55: {  	_ =	shalt  }
0x56: {  	_ =	shalt  }
0x57: {  	_ =	shalt  }
0x58: {  	_ =	shalt  }
0x59: {  	_ =	shalt  }
0x5a: {  	_ =	shalt  }
0x5b: {  	_ =	shalt  }
0x5c: {  	_ =	shalt  }
0x5d: {  	_ =	shalt  }
0x5e: {  	_ =	shalt  }
0x5f: {  	_ =	shalt  }
0x60: {  	_ =	shalt  }
0x61: {  	_ =	shalt  }
0x62: {  	_ =	shalt  }
0x63: {  	_ =	shalt  }
0x64: {  	_ =	shalt  }
0x65: {  	_ =	shalt  }
0x66: {  	_ =	shalt  }
0x67: {  	_ =	shalt  }
0x68: {  	_ =	shalt  }
0x69: {  	_ =	shalt  }
0x6a: {  	_ =	shalt  }
0x6b: {  	_ =	shalt  }
0x6c: {  	_ =	shalt  }
0x6d: {  	_ =	shalt  }
0x6e: {  	_ =	shalt  }
0x6f: {  	_ =	shalt  }
0x70: {  	_ =	shalt  }
0x71: {  	_ =	shalt  }
0x72: {  	_ =	shalt  }
0x73: {  	_ =	shalt  }
0x74: {  	_ =	shalt  }
0x75: {  	_ =	shalt  }
0x76: {  	_ =	shalt  }
0x77: {  	_ =	shalt  }
0x78: {  	_ =	shalt  }
0x79: {  	_ =	shalt  }
0x7a: {  	_ =	shalt  }
0x7b: {  	_ =	shalt  }
0x7c: {  	_ =	shalt  }
0x7d: {  	_ =	shalt  }
0x7e: {  	_ =	shalt  }
0x7f: {  	_ =	shalt  }
0x80: {  	_ =	shalt  }
0x81: {  	_ =	shalt  }
0x82: {  	_ =	shalt  }
0x83: {  	_ =	shalt  }
0x84: {  	_ =	shalt  }
0x85: {  	_ =	shalt  }
0x86: {  	_ =	shalt  }
0x87: {  	_ =	shalt  }
.Lfunc_end0:
.L_simem_size_0:
called_computation.1_lowered:
.L_overlay_start_0:
0x88: {  	s2 =	sld [smem:$0x3FD9]  }
0x89: {  	s3 =	sld [smem:$0x3FFE];
	_ =	sdelay $0x1  }
0x8a: {  	s1 =	srdreg.scid  }
0x8b: {  	s0 =	sand.u32 $0x1, s1  }
0x8c: {  	s17 =	sshll.u32 s0, $0xA;
	s2 =	sadd.s32 s3, s2  }
0x8d: {  	s2 =	sadd.s32 s2, s17  }
0x8e: {  	[smem:$0x3FC4] =	sst s2  }
0x8f: {  	_ = 	snop  }
0x90: {  	s2 =	sld [smem:$0x3FD0];
	(tm) =	ssettm $0x1  }
0x91: {  	s18 =	sld [smem:$0x3FFB];
	_ =	sdelay $0x3  }
0x92: {  	_ =	strace s18  }
0x93: {  	s3 =	sld [smem:$0x3FFC];
	_ =	sdelay $0x3  }
0x94: {  	_ =	strace s3  }
0x95: {  	s3 =	sld [smem:$0x3FFD];
	_ =	sdelay $0x3  }
0x96: {  	_ =	strace s3  }
0x97: {  	_ =	strace $0x8FFFFFFF  }
0x98: {  	s19 =	sld [smem:$0x3FDB];
	_ =	sdelay $0x1  }
0x99: {  	s4 =	simm.s32 $_scs_section_size  }
0x9a: {  	s5 =	simm.s32 $_size__tile_overlayer_lowered;
	s6 =	simm.s32 $_tile_overlayer_lowered  }
0x9b: {  	s22 =	simm.s32 $0x1BFF;
	s21 =	sshll.u32 s6, $0x1;
	s3 =	sadd.s32 s4, s19  }
0x9c: {  	s7 =	simm.s32 $0x0;
	s20 =	sshll.u32 s5, $0x1;
	s5 =	sadd.s32 s21, s3  }
0x9d: {  	[timem:s7], [sflag:s22] =	dma.local [hbm:s5], s20  }
0x9e: {  	_ =	swait.ge [sflag:s22], s20  }
0x9f: {  	s4 =	ssub.s32 $0x0, s20;
	[sflag:s22] =	ssyncset.done $0x0  }
0xa0: {  	[sflag:s22] =	ssyncadd.s32 s4;
	_ =	sdelay $0x1  }
0xa1: {  	s23 =	simm.s32 $0x1B8B  }
0xa2: {  	_ =	swait.ge [sflag:s23], $0x1  }
0xa3: {  	[sflag:s23] =	ssyncset.done $0x0  }
0xa4: {  	s25 =	simm.s32 $0x1B8E;
	s24 =	sld [smem:$0x3FFE];
	[sflag:s23] =	ssyncadd.s32 $0xFFFFFFFF  }
0xa5: {  	s26 =	simm.s32 $execute0_lowered;
	[smem:$0x3FD2] =	sst s25  }
0xa6: {  	s5 =	sshll.u32 s26, $0x1;
	_ =	strace $0x80000049;
	[dreg:$0x1] =	wrdreg $0xFFFFFFFF  }
0xa7: {  	s28 =	simm.s32 $_size_execute0_lowered;
	s3 =	sadd.s32 s3, s5;
	[dreg:$0x0] =	wrdreg $0x0  }
0xa8: {  	s5 =	sshll.u32 s28, $0x1;
	[dreg:$0x2] =	wrdreg s3  }
0xa9: {  	[dreg:$0x3] =	wrdreg s5  }
0xaa: {  	[dreg:$0x4] =	wrdreg $0xC0  }
0xab: {  	_ =	task [dreg:s7], $0x5FFFF  }
0xac: {  	[dreg:$0x1] =	wrdreg $0xFFFFFFFF  }
0xad: {  	[dreg:$0x0] =	wrdreg $0x60  }
0xae: {  	[dreg:$0x2] =	wrdreg s2  }
0xaf: {  	[dreg:$0x3] =	wrdreg s24  }
0xb0: {  	[dreg:$0x4] =	wrdreg $0x80000  }
0xb1: {  	[dreg:$0x5] =	wrdreg $0x9  }
0xb2: {  	_ =	task.clear_ibuf [dreg:s7], $0x6FFFF;
	_ =	strace $0x90000049  }
0xb3: {  	s29 =	simm.s32 $0x9;
	_ =	strace $0x8000004B  }
0xb4: {  	_ =	swait.ge [sflag:s29], $0x1  }
0xb5: {  	[sflag:s29] =	ssyncadd.s32 $0xFFFFFFFF  }
0xb6: {  	_ =	strace $0x9000004B  }
0xb7: {  	_ =	sfence  }
0xb8: {  	s30 =	sld [smem:$0x0];
	_ =	sdelay $0x2  }
0xb9: {  	s31 =	sshll.u32 s1, $0xD;
	s1 =	sshrl.u32 s1, $0x2  }
0xba: {  	s3 =	sand.u32 $0x4000, s31;
	s1 =	sadd.s32 s1, s30  }
0xbb: {  	s0 =	sor.u32 s3, s0;
	s1 =	sshll.u32 s1, $0x11  }
0xbc: {  	s0 =	sor.u32 s1, s0  }
0xbd: {  	s0 =	sadd.s32 $0x8F2B, s0  }
0xbe: {  	[sflag:s0] =	ssyncadd.remote.s32 $0x1  }
0xbf: {  	_ =	sfence.sel $0xFFFF  }
0xc0: {  	[dreg:$0x0] =	wrdreg $0xFFFFFFFF;
	(pc) =	sbr.abs _section_cstart, $3  }
0xc1: {  	[dreg:$0x1] =	wrdreg $0xFFFFFFFF  }
0xc2: {  	_ =	task.clear_ibuf [dreg:s7], $0x2FFFF;
	_ =	strace $0x9FFFFFFF  }
0xc3: {  	(tm) =	ssettm $0x7FFFFFFF  }
tec
execute0_lowered:
.L_overlay_start_1:
0x0: {  	(tag) =	ssettag $0x1  }
0x1: {  	s15 =	stileid.u32  }
0x2: {  	s1 =	smul.u32 $0xC800, s15  }
0x3: {  	s0 =	srdreg.scid;
	s8 =	smul.u32 $0xA000, s15  }
0x4: {  	s0 =	sand.u32 $0x1, s0;
	s24 =	smul.u32 $0x6400, s15  }
0x5: {  	s2 =	rddreg [dreg:$0x0];
	s6 =	smul.u32 $0x6400, s0  }
0x6: {  	s9 =	sor.u32 $0x10, s15;
	s20 =	ssub.s32 $0x2, s0;
	s0 =	smul.u32 $0x138800, s0  }
0x7: {  	s5 =	rddreg [dreg:$0x1];
	s10 =	sor.u32 $0x20, s15;
	s21 =	smul.u32 $0xA000, s9  }
0x8: {  	s3 =	rddreg [dreg:$0x2];
	s11 =	sor.u32 $0x30, s15;
	s22 =	smul.u32 $0xA000, s10  }
0x9: {  	s4 =	simm.s32 $0x0;
	s28 =	simm.s32 $0x400;
	s12 =	smul.u32 $0xA000, s11  }
0xa: {  	s29 =	simm.s32 $0x50;
	s30 =	simm.s32 $0x800;
	s26 =	smul.u32 $0x6400, s9  }
0xb: {  	s31 =	simm.s32 $0x80;
	[smem:$0x7FF] =	sst s4;
	s17 =	smul.u32 $0x6400, s10  }
0xc: {  	s19 =	sadd.s32 $0x1AA00, s5;
	s18 =	sor.u32 $0x70, s15;
	s13 =	smul.u32 $0x6400, s11  }
0xd: {  	_ =	strace $0x8000004A;
	[dreg:$0x4] =	wrdreg s19;
	s14 =	smul.u32 $0xA000, s18  }
0xe: {  	s19 =	smul.u32 $0x19000, s15;
	p0 =	sgt.u32 s18, $0x7C;
	p1 =	sgt.u32 s11, $0x31  }
0xf: {  	s7 =	sshrl.u32 s20, $0x1;
	s8 =	sshrl.u32 s8, $0x2;
	s1 =	sadd.s32 s6, s1  }
0x10: {  	s6 =	ssub.s32 s20, s7;
	s7 =	sshrl.u32 s21, $0x2;
	s8 =	sadd.s32 s8, s3  }
0x11: {  	s23 =	sshrl.u32 s12, $0x2;
	s14 =	sshrl.u32 s14, $0x2;
	s20 =	sshrl.u32 s19, $0x2  }
0x12: {  	s21 =	smul.u32 $0x19000, s9;
	s6 =	smax.u32 s6, $0x1;
	[dreg:$0x6] =	wrdreg s8  }
0x13: {  	s9 =	simm.s32 $0x500;
	s7 =	sadd.s32 s7, s3;
	[dreg:$0x5] =	wrdreg s6  }
0x14: {  	s12 =	simm.s32 $0x600;
	s25 =	sadd.s32 $0xA0000, s8;
	[dreg:$0x7] =	wrdreg s7  }
0x15: {  	s1 =	sshrl.u32 s1, $0x3;
	s16 =	sadd.s32 $0xC8000, s8;
	[dreg:$0xa] =	wrdreg s25  }
0x16: {  	s8 =	sadd.s32 $0xF0000, s8;
	s1 =	sadd.s32 s1, s5;
	[dreg:$0xb] =	wrdreg s16  }
0x17: {  	s5 =	sadd.s32 $0x1B000, s5;
	s6 =	sshrl.u32 s22, $0x2;
	[dreg:$0xc] =	wrdreg s8  }
0x18: {  	s7 =	sadd.s32 s0, s24;
	s8 =	sadd.s32 s0, s17;
	s22 =	smul.u32 $0x19000, s10  }
0x19: {  	s24 =	sadd.s32 s14, s3;
	s25 =	sadd.s32 s20, s3;
	s10 =	simm.s32 $0x200  }
0x1a: {  	s14 =	simm.s32 $0x0;
	s6 =	sadd.s32 s6, s3;
	s7 =	sshrl.u32 s7, $0x3  }
0x1b: {  	s8 =	sshrl.u32 s8, $0x3;
	[dreg:$0x11] =	wrdreg s24;
	s19 =	sadd.s32 $0x1A00, s1  }
0x1c: {  	s20 =	sadd.s32 $0x69200, s1;
	s1 =	simm.s32 $0x3000;
	[dreg:$0x8] =	wrdreg s6  }
0x1d: {  	s6 =	sadd.s32 s23, s3;
	s7 =	sadd.s32 s5, s7;
	s8 =	sadd.s32 s5, s8  }
0x1e: {  	s23 =	smul.u32 $0x19000, s11;
	s11 =	simm.s32 $0x580;
	[dreg:$0x9] =	wrdreg s6  }
0x1f: {  	s6 =	sadd.s32 s0, s26;
	s0 =	sadd.s32 s0, s13;
	[dreg:$0xd] =	wrdreg s7  }
0x20: {  	[dreg:$0xf] =	wrdreg s8;
	s26 =	sshrl.u32 s22, $0x2;
	s22 =	sshrl.u32 s25, $0x3  }
0x21: {  	s8 =	simm.s32 $0x180;
	s13 =	simm.s32 $0x2;
	s6 =	sshrl.u32 s6, $0x3  }
0x22: {  	s0 =	sshrl.u32 s0, $0x3;
	s7 =	sadd.s32 s26, s3;
	s26 =	simm.s32 $0x3  }
0x23: {  	s6 =	sadd.s32 s5, s6;
	s0 =	sadd.s32 s5, s0;
	s24 =	sshrl.u32 s7, $0x3  }
0x24: {  	s5 =	simm.s32 $0x100;
	[dreg:$0xe] =	wrdreg s6;
	s6 =	sshrl.u32 s21, $0x2  }
0x25: {  	[dreg:$0x10] =	wrdreg s0;
	s0 =	sshrl.u32 s23, $0x2;
	s6 =	sadd.s32 s6, s3  }
0x26: {  	s21 =	simm.s32 $0x5800;
	s0 =	sadd.s32 s0, s3;
	s23 =	sshrl.u32 s6, $0x3  }
0x27: {  	s25 =	sshrl.u32 @!p1 s0, $0x3;
	s0 =	simm.s32 $0x1;
	s6 =	simm.s32 $0x480  }
.LBB2_1:
0x28: {  	s7 =	rddreg [dreg:$0x4]  }
0x29: {  	[tilespmem:s21], [sflag:$0x3] =	stream.linear.gather [hbm4b:s7+s4], $0x2800, $0x38;
	[tilespmem:$0x1B880] =	vst v63  }
0x2a: {  	_ =	swait.ge [sflag:s26], $0x2800  }
0x2b: {  	[sflag:s26] =	ssyncset.done $0x0  }
0x2c: {  	s18 =	rddreg [dreg:$0x6];
	[sflag:s26] =	ssyncadd.s32 $0xFFFFD800  }
0x2d: {  	[spmem:s18] =	stream.linear.scatter [tilespmem:s21], [sflag:$0x3], $0x2800, $0x38;
	[tilespmem:$0x1B880] =	vst v63  }
0x2e: {  	_ =	swait.ge [sflag:s26], $0x2800  }
0x2f: {  	[sflag:s26] =	ssyncset.done $0x0  }
0x30: {  	s15 =	rddreg [dreg:$0x7];
	[sflag:s26] =	ssyncadd.s32 $0xFFFFD800  }
0x31: {  	[spmem:s15] =	stream.linear.scatter [tilespmem:s21], [sflag:$0x3], $0x2800, $0x38;
	[tilespmem:$0x1B880] =	vst v63  }
0x32: {  	_ =	swait.ge [sflag:s26], $0x2800  }
0x33: {  	[sflag:s26] =	ssyncset.done $0x0  }
0x34: {  	s16 =	rddreg [dreg:$0x8];
	[sflag:s26] =	ssyncadd.s32 $0xFFFFD800  }
0x35: {  	[spmem:s16] =	stream.linear.scatter [tilespmem:s21], [sflag:$0x3], $0x2800, $0x38;
	[tilespmem:$0x1B880] =	vst v63  }
0x36: {  	_ =	swait.ge [sflag:s26], $0x2800  }
0x37: {  	[sflag:s26] =	ssyncset.done $0x0  }
0x38: {  	s17 =	rddreg [dreg:$0x9];
	[sflag:s26] =	ssyncadd.s32 $0xFFFFD800  }
0x39: {  	[spmem:s17] =	stream.linear.scatter [tilespmem:s21], [sflag:$0x3], $0x2800, $0x38;
	[tilespmem:$0x1B880] =	vst v63  }
0x3a: {  	_ =	swait.ge [sflag:s26], $0x2800  }
0x3b: {  	[sflag:s26] =	ssyncset.done $0x0  }
0x3c: {  	s18 =	rddreg [dreg:$0xa];
	[sflag:s26] =	ssyncadd.s32 $0xFFFFD800  }
0x3d: {  	[spmem:s18] =	stream.linear.scatter [tilespmem:s21], [sflag:$0x3], $0x2800, $0x38;
	[tilespmem:$0x1B880] =	vst v63  }
0x3e: {  	_ =	swait.ge [sflag:s26], $0x2800  }
0x3f: {  	[sflag:s26] =	ssyncset.done $0x0  }
0x40: {  	s15 =	rddreg [dreg:$0xb];
	[sflag:s26] =	ssyncadd.s32 $0xFFFFD800  }
0x41: {  	[spmem:s15] =	stream.linear.scatter [tilespmem:s21], [sflag:$0x3], $0x2800, $0x38;
	[tilespmem:$0x1B880] =	vst v63  }
0x42: {  	_ =	swait.ge [sflag:s26], $0x2800  }
0x43: {  	[sflag:s26] =	ssyncset.done $0x0  }
0x44: {  	s16 =	rddreg [dreg:$0xc];
	[sflag:s26] =	ssyncadd.s32 $0xFFFFD800  }
0x45: {  	[spmem:s16] =	stream.linear.scatter [tilespmem:s21], [sflag:$0x3], $0x2800, $0x38;
	[tilespmem:$0x1B880] =	vst v63  }
0x46: {  	_ =	swait.ge [sflag:s26], $0x2800  }
0x47: {  	[sflag:s26] =	ssyncset.done $0x0  }
0x48: {  	s7 =	simm.s32 @!p0 $0x5800;
	s15 =	rddreg [dreg:$0x11];
	[sflag:s26] =	ssyncadd.s32 $0xFFFFD800  }
0x49: {  	[spmem:s15] =	stream.linear.scatter @!p0 [tilespmem:s7], [sflag:$0x3], $0x2800, $0x38;
	[tilespmem:$0x1B880] =	vst v63  }
0x4a: {  	s7 =	simm.s32 @!p0 $0x3  }
0x4b: {  	_ =	swait.ge @!p0 [sflag:s7], $0x2800  }
0x4c: {  	[sflag:s7] =	ssyncset.done @!p0 $0x0  }
0x4d: {  	[sflag:s7] =	ssyncadd.s32 @!p0 $0xFFFFD800  }
0x4e: {  	s17 =	sadd.s32 $0x0, s20;
	[bflag:$0x0] =	sbarrier.arrive $0xFFFF  }
0x4f: {  	[tilespmem:s4], [sflag:$0x3] =	stream.linear.gather [hbm4b:s17+s4], $0x280, $0x38;
	[tilespmem:$0x1B880] =	vst v63  }
0x50: {  	_ =	swait.ge [sflag:s26], $0x280  }
0x51: {  	[sflag:s26] =	ssyncset.done $0x0  }
0x52: {  	s18 =	sadd.s32 $0x0, s19;
	[sflag:s26] =	ssyncadd.s32 $0xFFFFFD80  }
0x53: {  	[tilespmem:s28], [sflag:$0x3] =	stream.linear.gather [hbm4b:s18+s4], $0x280, $0x38;
	[tilespmem:$0x1B880] =	vst v63  }
0x54: {  	_ =	swait.ge [sflag:s26], $0x280  }
0x55: {  	[sflag:s26] =	ssyncset.done $0x0  }
0x56: {  	[sflag:s26] =	ssyncadd.s32 $0xFFFFFD80  }
0x57: {  	[tilespmem:s30], [sflag:$0x1] =	stream.indirect.gather [hbm4b:s2+s29], $0x80, s4, s29, $0xb8;
	[tilespmem:$0x1B880] =	vst v63  }
0x58: {  	_ = 	snop  }
0x59: {  	[tilespmem:s1], [sflag:$0x1] =	stream.indirect.gather [hbm4b:s2+s29], $0x80, s31, s29, $0xb8;
	[tilespmem:$0x1B880] =	vst v63  }
0x5a: {  	_ =	swait.ge [sflag:s0], $0x2800  }
0x5b: {  	[sflag:s0] =	ssyncset.done $0x0  }
0x5c: {  	[sflag:s0] =	ssyncadd.s32 $0xFFFFD800  }
0x5d: {  	[spmem:s3] =	stream.indirect.scatter.add.f32 [tilespmem:s30], [sflag:$0x2], $0x80, s28, s29, $0xb8;
	[tilespmem:$0x1B880] =	vst v63  }
0x5e: {  	_ = 	snop  }
0x5f: {  	[tilespmem:s30], [sflag:$0x1] =	stream.indirect.gather [hbm4b:s2+s29], $0x80, s5, s29, $0xb8;
	[tilespmem:$0x1B880] =	vst v63  }
0x60: {  	_ =	swait.ge [sflag:s0], $0x2800  }
0x61: {  	[sflag:s0] =	ssyncset.done $0x0  }
0x62: {  	[sflag:s0] =	ssyncadd.s32 $0xFFFFD800  }
0x63: {  	[spmem:s3] =	stream.indirect.scatter.add.f32 [tilespmem:s1], [sflag:$0x2], $0x80, s6, s29, $0xb8;
	[tilespmem:$0x1B880] =	vst v63  }
0x64: {  	_ = 	snop  }
0x65: {  	[tilespmem:s1], [sflag:$0x1] =	stream.indirect.gather [hbm4b:s2+s29], $0x80, s8, s29, $0xb8;
	[tilespmem:$0x1B880] =	vst v63  }
0x66: {  	_ =	swait.ge [sflag:s0], $0x2800  }
0x67: {  	[sflag:s0] =	ssyncset.done $0x0  }
0x68: {  	[sflag:s0] =	ssyncadd.s32 $0xFFFFD800  }
0x69: {  	[spmem:s3] =	stream.indirect.scatter.add.f32 [tilespmem:s30], [sflag:$0x2], $0x80, s9, s29, $0xb8;
	[tilespmem:$0x1B880] =	vst v63  }
0x6a: {  	_ = 	snop  }
0x6b: {  	[tilespmem:s30], [sflag:$0x1] =	stream.indirect.gather [hbm4b:s2+s29], $0x80, s10, s29, $0xb8;
	[tilespmem:$0x1B880] =	vst v63  }
0x6c: {  	_ =	swait.ge [sflag:s0], $0x2800  }
0x6d: {  	[sflag:s0] =	ssyncset.done $0x0  }
0x6e: {  	[sflag:s0] =	ssyncadd.s32 $0xFFFFD800  }
0x6f: {  	[spmem:s3] =	stream.indirect.scatter.add.f32 [tilespmem:s1], [sflag:$0x2], $0x80, s11, s29, $0xb8;
	[tilespmem:$0x1B880] =	vst v63  }
0x70: {  	_ =	swait.ge [sflag:s0], $0x2800  }
0x71: {  	[sflag:s0] =	ssyncset.done $0x0  }
0x72: {  	[sflag:s0] =	ssyncadd.s32 $0xFFFFD800  }
0x73: {  	[spmem:s3] =	stream.indirect.scatter.add.f32 [tilespmem:s30], [sflag:$0x2], $0x80, s12, s29, $0xb8;
	[tilespmem:$0x1B880] =	vst v63  }
0x74: {  	_ =	swait.ge [sflag:s13], $0x2800  }
0x75: {  	[sflag:s13] =	ssyncset.done $0x0  }
0x76: {  	[sflag:s13] =	ssyncadd.s32 $0xFFFFD800  }
0x77: {  	_ =	swait.ge [sflag:s13], $0x2800  }
0x78: {  	[sflag:s13] =	ssyncset.done $0x0  }
0x79: {  	[sflag:s13] =	ssyncadd.s32 $0xFFFFD800  }
0x7a: {  	_ =	swait.ge [sflag:s13], $0x2800  }
0x7b: {  	[sflag:s13] =	ssyncset.done $0x0  }
0x7c: {  	[sflag:s13] =	ssyncadd.s32 $0xFFFFD800  }
0x7d: {  	_ =	swait.ge [sflag:s13], $0x2800  }
0x7e: {  	[sflag:s13] =	ssyncset.done $0x0  }
0x7f: {  	[sflag:s13] =	ssyncadd.s32 $0xFFFFD800  }
0x80: {  	_ =	swait.ge [sflag:s13], $0x2800  }
0x81: {  	s16 =	simm.s32 $0x100;
	s15 =	simm.s32 $0x80;
	[sflag:s13] =	ssyncset.done $0x0  }
.LBB2_2:
0x82: {  	s17 =	sadd.s32 s15, s20  }
0x83: {  	[sflag:s13] =	ssyncadd.s32 $0xFFFFD800;
	s18 =	smov.u32 s16;
	s7 =	sadd.s32 $0x80, s16  }
0x84: {  	[tilespmem:s4], [sflag:$0x3] =	stream.linear.gather [hbm4b:s17+s4], $0x280, $0x38;
	[tilespmem:$0x1B880] =	vst v63  }
0x85: {  	p2 =	sne.s32 s16, $0xC00;
	_ =	swait.ge [sflag:s26], $0x280  }
0x86: {  	[sflag:s26] =	ssyncset.done $0x0  }
0x87: {  	s16 =	sadd.s32 s15, s19;
	s15 =	smov.u32 s18;
	[sflag:s26] =	ssyncadd.s32 $0xFFFFFD80  }
0x88: {  	[tilespmem:s28], [sflag:$0x3] =	stream.linear.gather [hbm4b:s16+s4], $0x280, $0x38;
	[tilespmem:$0x1B880] =	vst v63  }
0x89: {  	_ =	swait.ge [sflag:s26], $0x280  }
0x8a: {  	[sflag:s26] =	ssyncset.done $0x0  }
0x8b: {  	[sflag:s26] =	ssyncadd.s32 $0xFFFFFD80  }
0x8c: {  	[tilespmem:s30], [sflag:$0x1] =	stream.indirect.gather [hbm4b:s2+s29], $0x80, s4, s29, $0xb8;
	[tilespmem:$0x1B880] =	vst v63  }
0x8d: {  	_ = 	snop  }
0x8e: {  	[tilespmem:s1], [sflag:$0x1] =	stream.indirect.gather [hbm4b:s2+s29], $0x80, s31, s29, $0xb8;
	[tilespmem:$0x1B880] =	vst v63  }
0x8f: {  	_ =	swait.ge [sflag:s0], $0x2800  }
0x90: {  	[sflag:s0] =	ssyncset.done $0x0  }
0x91: {  	[sflag:s0] =	ssyncadd.s32 $0xFFFFD800  }
0x92: {  	[spmem:s3] =	stream.indirect.scatter.add.f32 [tilespmem:s30], [sflag:$0x2], $0x80, s28, s29, $0xb8;
	[tilespmem:$0x1B880] =	vst v63  }
0x93: {  	_ = 	snop  }
0x94: {  	[tilespmem:s30], [sflag:$0x1] =	stream.indirect.gather [hbm4b:s2+s29], $0x80, s5, s29, $0xb8;
	[tilespmem:$0x1B880] =	vst v63  }
0x95: {  	_ =	swait.ge [sflag:s0], $0x2800  }
0x96: {  	[sflag:s0] =	ssyncset.done $0x0  }
0x97: {  	[sflag:s0] =	ssyncadd.s32 $0xFFFFD800  }
0x98: {  	[spmem:s3] =	stream.indirect.scatter.add.f32 [tilespmem:s1], [sflag:$0x2], $0x80, s6, s29, $0xb8;
	[tilespmem:$0x1B880] =	vst v63  }
0x99: {  	_ = 	snop  }
0x9a: {  	[tilespmem:s1], [sflag:$0x1] =	stream.indirect.gather [hbm4b:s2+s29], $0x80, s8, s29, $0xb8;
	[tilespmem:$0x1B880] =	vst v63  }
0x9b: {  	_ =	swait.ge [sflag:s0], $0x2800  }
0x9c: {  	[sflag:s0] =	ssyncset.done $0x0  }
0x9d: {  	[sflag:s0] =	ssyncadd.s32 $0xFFFFD800  }
0x9e: {  	[spmem:s3] =	stream.indirect.scatter.add.f32 [tilespmem:s30], [sflag:$0x2], $0x80, s9, s29, $0xb8;
	[tilespmem:$0x1B880] =	vst v63  }
0x9f: {  	_ = 	snop  }
0xa0: {  	[tilespmem:s30], [sflag:$0x1] =	stream.indirect.gather [hbm4b:s2+s29], $0x80, s10, s29, $0xb8;
	[tilespmem:$0x1B880] =	vst v63  }
0xa1: {  	_ =	swait.ge [sflag:s0], $0x2800  }
0xa2: {  	[sflag:s0] =	ssyncset.done $0x0  }
0xa3: {  	[sflag:s0] =	ssyncadd.s32 $0xFFFFD800  }
0xa4: {  	[spmem:s3] =	stream.indirect.scatter.add.f32 [tilespmem:s1], [sflag:$0x2], $0x80, s11, s29, $0xb8;
	[tilespmem:$0x1B880] =	vst v63  }
0xa5: {  	_ =	swait.ge [sflag:s0], $0x2800  }
0xa6: {  	[sflag:s0] =	ssyncset.done $0x0  }
0xa7: {  	[sflag:s0] =	ssyncadd.s32 $0xFFFFD800  }
0xa8: {  	[spmem:s3] =	stream.indirect.scatter.add.f32 [tilespmem:s30], [sflag:$0x2], $0x80, s12, s29, $0xb8;
	[tilespmem:$0x1B880] =	vst v63  }
0xa9: {  	_ =	swait.ge [sflag:s13], $0x2800  }
0xaa: {  	[sflag:s13] =	ssyncset.done $0x0  }
0xab: {  	[sflag:s13] =	ssyncadd.s32 $0xFFFFD800  }
0xac: {  	_ =	swait.ge [sflag:s13], $0x2800  }
0xad: {  	[sflag:s13] =	ssyncset.done $0x0  }
0xae: {  	[sflag:s13] =	ssyncadd.s32 $0xFFFFD800  }
0xaf: {  	_ =	swait.ge [sflag:s13], $0x2800  }
0xb0: {  	[sflag:s13] =	ssyncset.done $0x0  }
0xb1: {  	[sflag:s13] =	ssyncadd.s32 $0xFFFFD800  }
.Ltmp0:
0xb2: {  	_ =	swait.ge [sflag:s13], $0x2800;
	(pc) =	sbr.rel @p2 .LBB2_2-.Ltmp0, $4  }
0xb3: {  	[sflag:s13] =	ssyncset.done $0x0  }
0xb4: {  	[sflag:s13] =	ssyncadd.s32 $0xFFFFD800  }
0xb5: {  	_ =	swait.ge [sflag:s13], $0x2800  }
0xb6: {  	s16 =	smov.u32 s7;
	[sflag:s13] =	ssyncset.done $0x0  }
0xb7: {  	s7 =	sadd.s32 s15, s20;
	[sflag:s13] =	ssyncadd.s32 $0xFFFFD800  }
0xb8: {  	[tilespmem:s4], [sflag:$0x3] =	stream.linear.gather [hbm4b:s7+s4], $0x280, $0x38;
	[tilespmem:$0x1B880] =	vst v63  }
0xb9: {  	_ =	swait.ge [sflag:s26], $0x280  }
0xba: {  	[sflag:s26] =	ssyncset.done $0x0  }
0xbb: {  	s16 =	sadd.s32 s15, s19;
	[sflag:s26] =	ssyncadd.s32 $0xFFFFFD80  }
0xbc: {  	[tilespmem:s28], [sflag:$0x3] =	stream.linear.gather [hbm4b:s16+s4], $0x280, $0x38;
	[tilespmem:$0x1B880] =	vst v63  }
0xbd: {  	_ =	swait.ge [sflag:s26], $0x280  }
0xbe: {  	[sflag:s26] =	ssyncset.done $0x0  }
0xbf: {  	[sflag:s26] =	ssyncadd.s32 $0xFFFFFD80  }
0xc0: {  	[tilespmem:s30], [sflag:$0x1] =	stream.indirect.gather [hbm4b:s2+s29], $0x80, s4, s29, $0xb8;
	[tilespmem:$0x1B880] =	vst v63  }
0xc1: {  	_ = 	snop  }
0xc2: {  	[tilespmem:s1], [sflag:$0x1] =	stream.indirect.gather [hbm4b:s2+s29], $0x80, s31, s29, $0xb8;
	[tilespmem:$0x1B880] =	vst v63  }
0xc3: {  	_ =	swait.ge [sflag:s0], $0x2800  }
0xc4: {  	[sflag:s0] =	ssyncset.done $0x0  }
0xc5: {  	[sflag:s0] =	ssyncadd.s32 $0xFFFFD800  }
0xc6: {  	[spmem:s3] =	stream.indirect.scatter.add.f32 [tilespmem:s30], [sflag:$0x2], $0x80, s28, s29, $0xb8;
	[tilespmem:$0x1B880] =	vst v63  }
0xc7: {  	_ = 	snop  }
0xc8: {  	[tilespmem:s30], [sflag:$0x1] =	stream.indirect.gather [hbm4b:s2+s29], $0x80, s5, s29, $0xb8;
	[tilespmem:$0x1B880] =	vst v63  }
0xc9: {  	_ =	swait.ge [sflag:s0], $0x2800  }
0xca: {  	[sflag:s0] =	ssyncset.done $0x0  }
0xcb: {  	[sflag:s0] =	ssyncadd.s32 $0xFFFFD800  }
0xcc: {  	[spmem:s3] =	stream.indirect.scatter.add.f32 [tilespmem:s1], [sflag:$0x2], $0x80, s6, s29, $0xb8;
	[tilespmem:$0x1B880] =	vst v63  }
0xcd: {  	_ = 	snop  }
0xce: {  	[tilespmem:s1], [sflag:$0x1] =	stream.indirect.gather [hbm4b:s2+s29], $0x80, s8, s29, $0xb8;
	[tilespmem:$0x1B880] =	vst v63  }
0xcf: {  	_ =	swait.ge [sflag:s0], $0x2800  }
0xd0: {  	[sflag:s0] =	ssyncset.done $0x0  }
0xd1: {  	[sflag:s0] =	ssyncadd.s32 $0xFFFFD800  }
0xd2: {  	[spmem:s3] =	stream.indirect.scatter.add.f32 [tilespmem:s30], [sflag:$0x2], $0x80, s9, s29, $0xb8;
	[tilespmem:$0x1B880] =	vst v63  }
0xd3: {  	_ = 	snop  }
0xd4: {  	[tilespmem:s30], [sflag:$0x1] =	stream.indirect.gather [hbm4b:s2+s29], $0x80, s10, s29, $0xb8;
	[tilespmem:$0x1B880] =	vst v63  }
0xd5: {  	_ =	swait.ge [sflag:s0], $0x2800  }
0xd6: {  	[sflag:s0] =	ssyncset.done $0x0  }
0xd7: {  	[sflag:s0] =	ssyncadd.s32 $0xFFFFD800  }
0xd8: {  	[spmem:s3] =	stream.indirect.scatter.add.f32 [tilespmem:s1], [sflag:$0x2], $0x80, s11, s29, $0xb8;
	[tilespmem:$0x1B880] =	vst v63  }
0xd9: {  	_ =	swait.ge [sflag:s0], $0x2800  }
0xda: {  	[sflag:s0] =	ssyncset.done $0x0  }
0xdb: {  	[sflag:s0] =	ssyncadd.s32 $0xFFFFD800  }
0xdc: {  	[spmem:s3] =	stream.indirect.scatter.add.f32 [tilespmem:s30], [sflag:$0x2], $0x80, s12, s29, $0xb8;
	[tilespmem:$0x1B880] =	vst v63  }
0xdd: {  	_ =	swait.ge [sflag:s13], $0x2800  }
0xde: {  	[sflag:s13] =	ssyncset.done $0x0  }
0xdf: {  	[sflag:s13] =	ssyncadd.s32 $0xFFFFD800  }
0xe0: {  	_ =	swait.ge [sflag:s13], $0x2800  }
0xe1: {  	[sflag:s13] =	ssyncset.done $0x0  }
0xe2: {  	[sflag:s13] =	ssyncadd.s32 $0xFFFFD800  }
0xe3: {  	_ =	swait.ge [sflag:s13], $0x2800  }
0xe4: {  	[sflag:s13] =	ssyncset.done $0x0  }
0xe5: {  	[sflag:s13] =	ssyncadd.s32 $0xFFFFD800  }
0xe6: {  	_ =	swait.ge [sflag:s13], $0x2800  }
0xe7: {  	[sflag:s13] =	ssyncset.done $0x0  }
0xe8: {  	[sflag:s13] =	ssyncadd.s32 $0xFFFFD800  }
0xe9: {  	_ =	swait.ge [sflag:s13], $0x2800  }
0xea: {  	[sflag:s13] =	ssyncset.done $0x0  }
0xeb: {  	s17 =	stileid.u32;
	[sflag:s13] =	ssyncadd.s32 $0xFFFFD800  }
0xec: {  	s7 =	sshll.u32 s17, $0x6;
	[bflag:$0x0] =	sbarrier.arrive $0xFFFF  }
0xed: {  	s7 =	sor.u32 $0x1C03, s7;
	s18 =	rddreg [dreg:$0xd]  }
0xee: {  	[hbm:s18], [sflag:s7] =	dma.local [spmem:s22], $0xC80  }
0xef: {  	_ =	swait.ge [sflag:s26], $0xC80  }
0xf0: {  	[sflag:s26] =	ssyncset.done $0x0  }
0xf1: {  	s16 =	rddreg [dreg:$0xe];
	[sflag:s26] =	ssyncadd.s32 $0xFFFFF380  }
0xf2: {  	[hbm:s16], [sflag:s7] =	dma.local [spmem:s23], $0xC80  }
0xf3: {  	_ =	swait.ge [sflag:s26], $0xC80  }
0xf4: {  	[sflag:s26] =	ssyncset.done $0x0  }
0xf5: {  	s17 =	rddreg [dreg:$0xf];
	[sflag:s26] =	ssyncadd.s32 $0xFFFFF380  }
0xf6: {  	[hbm:s17], [sflag:s7] =	dma.local [spmem:s24], $0xC80  }
0xf7: {  	_ =	swait.ge [sflag:s26], $0xC80  }
0xf8: {  	[sflag:s26] =	ssyncset.done $0x0  }
0xf9: {  	s15 =	rddreg [dreg:$0x10];
	[sflag:s26] =	ssyncadd.s32 $0xFFFFF380  }
0xfa: {  	[hbm:s15], [sflag:s7] =	dma.local @!p1 [spmem:s25], $0xC80  }
0xfb: {  	s7 =	simm.s32 @!p1 $0x3  }
0xfc: {  	_ =	swait.ge @!p1 [sflag:s7], $0xC80  }
0xfd: {  	s14 =	sadd.s32 $0x1, s14;
	s18 =	rddreg [dreg:$0x5]  }
0xfe: {  	p2 =	sne.s32 s14, s18  }
.Ltmp1:
0xff: {  	_ = 	snop;
	(pc) =	sbr.rel @p2 .LBB2_1-.Ltmp1, $3  }
0x100: {  	_ =	sdelay $0x1  }
0x101: {  	[sflag:s7] =	ssyncset.done @!p1 $0x0  }
0x102: {  	[sflag:s7] =	ssyncadd.s32 @!p1 $0xFFFFF380  }
0x103: {  	_ =	sfence.sel $0x180000  }
0x104: {  	[bflag:$0x0] =	sbarrier.arrive $0xFFFF  }
0x105: {  	_ =	strace $0x9000004A  }
0x106: {  	s0 =	stileid.u32;
	[bflag:$0x2] =	sbarrier.arrive $0xFFFF  }
0x107: {  	p0 =	sne.s32 s0, $0x0;
	s0 =	rddreg [dreg:$0x3]  }
0x108: {  	s0 =	sadd.s32 @!p0 $0x100000, s0  }
0x109: {  	[sflag:s0] =	ssyncadd.tile.s32 @!p0 $0x1;
	_ =	shalt  }
.Lfunc_end2:
_tile_overlayer_lowered:
.L_overlay_start_2:
0x10a: {  	(tag) =	ssettag $0x2  }
0x10b: {  	s0 =	rddreg [dreg:$0x0];
	s2 =	stileid.u32  }
0x10c: {  	s1 =	rddreg [dreg:$0x1];
	p0 =	sne.s32 s2, $0x0  }
0x10d: {  	s3 =	rddreg [dreg:$0x2];
	[bflag:$0x3] =	sbarrier.arrive $0xFFFF;
	s2 =	simm.s32 @!p0 $0x1C03  }
0x10e: {  	[timem:s3], [sflag:s2] =	dma.local @!p0 [hbm:s0], s1  }
0x10f: {  	s0 =	simm.s32 @!p0 $0x3  }
0x110: {  	_ =	swait.ge @!p0 [sflag:s0], s1  }
0x111: {  	s1 =	ssub.s32 @!p0 $0x0, s1;
	[sflag:s0] =	ssyncset.done @!p0 $0x0  }
0x112: {  	[sflag:s0] =	ssyncadd.s32 @!p0 s1  }
0x113: {  	[bflag:$0x3] =	sbarrier.arrive $0xFFFF  }
0x114: {  	_ =	shalt  }

// kernel: kernel.7.cloned.1.call-start
scs
__scs_entry_jumppad:
0x0: {  	(pc) =	sbr.rel $0x88, $3  }
0x1: {  	(tag) =	ssettag $0x0;
	lr =	simm.s32 $0x1  }
0x2: {  	[smem:$0x3F9D] =	sst lr;
	_ =	strace $0xD0000000  }
0x3: {  	_ = 	snop  }
0x4: {  	_ = 	snop  }
0x5: {  	_ = 	snop  }
0x6: {  	_ = 	snop  }
0x7: {  	_ = 	snop  }
__scs_overlays_trampoline_lowered:
0x8: {  	[smem:$0x3FAC] =	sst s0  }
0x9: {  	[smem:$0x3FAD] =	sst s1  }
0xa: {  	[smem:$0x3FAE] =	sst s2  }
0xb: {  	[smem:$0x3FAF] =	sst s3  }
0xc: {  	[smem:$0x3FB0] =	sst s4  }
0xd: {  	[smem:$0x3FB1] =	sst s5  }
0xe: {  	[smem:$0x3FB2] =	sst s6  }
0xf: {  	[smem:$0x3FB3] =	sst s7  }
0x10: {  	[smem:$0x3FB4] =	sst s8  }
0x11: {  	[smem:$0x3FB5] =	sst s9;
	s0 =	simm.s32 @!p0 $0x0  }
0x12: {  	s1 =	sld [smem:$0x3F9B];
	s0 =	simm.s32 @p0 $0x1  }
0x13: {  	[smem:$0x3FB6] =	sst s0;
	s0 =	simm.s32 @!p1 $0x0  }
0x14: {  	s2 =	sld [smem:$0x3F9A];
	s0 =	simm.s32 @p1 $0x1  }
0x15: {  	[smem:$0x3FB7] =	sst s0;
	s0 =	simm.s32 @!p2 $0x0  }
0x16: {  	s3 =	sld [smem:$0x3FDB];
	s0 =	simm.s32 @p2 $0x1  }
0x17: {  	s4 =	simm.s32 $0x1BF5;
	[smem:$0x3FB9] =	sst s0  }
0x18: {  	s0 =	sld [smem:$0x3F9C];
	_ =	swait.ge [sflag:s4], $0x0  }
0x19: {  	s7 =	sld [smem:$0x3F9D]  }
0x1a: {  	s8 =	sadd.s32 $0xFFFFE003, lr  }
0x1b: {  	s9 =	sadd.s32 $0xFFFFFEF7, lr;
	s5 =	simm.s32 $0xFFFFFFFF;
	p2 =	slt.u32 s8, $0xFFFFF086  }
0x1c: {  	p1 =	slt.u32 s9, $0xF7A;
	s5 =	simm.s32 @!p2 $0x0  }
0x1d: {  	s5 =	simm.s32 @p1 $0x1;
	p0 =	seq.s32 s7, s2  }
0x1e: {  	s7 =	smul.u32 @!p0 $0xF7A, s2;
	p2 =	seq.s32 @!p0 s5, $0x0  }
0x1f: {  	s9 =	smul.u32 $0xF7A, s1;
	s8 =	simm.s32 @!p0 $0x1BF5;
	p2 =	por !p2, p0  }
0x20: {  	[sflag:s8] =	ssyncset.s32 @!p0 $0xFFFFF086;
	s6 =	sadd.s32 @!p0 s3, s7;
	s7 =	simm.s32 @!p0 $0x108  }
0x21: {  	s3 =	sadd.s32 s3, s9;
	s6 =	sadd.s32 @!p0 $0x88, s6;
	s7 =	simm.s32 @p2 $0x1082  }
0x22: {  	[simem:s7], [sflag:s8] =	dma.local @!p0 [hbm:s6], $0xF7A  }
0x23: {  	s9 =	sor.u32 $0xD0000000, s2;
	s6 =	simm.s32 $0x108;
	_ =	swait.ge @!p0 [sflag:s8], $0x0  }
0x24: {  	s3 =	sadd.s32 $0x88, s3;
	s6 =	simm.s32 @!p1 $0x1082;
	[sflag:s4] =	ssyncset.s32 $0xFFFFF086  }
0x25: {  	[simem:s6], [sflag:s4] =	dma.local [hbm:s3], $0xF7A  }
0x26: {  	[smem:$0x3F9D] =	sst s1;
	(tag) =	ssettag s2;
	_ =	strace s9  }
0x27: {  	s1 =	sld [smem:$0x3FAD]  }
0x28: {  	s2 =	sld [smem:$0x3FAE]  }
0x29: {  	s4 =	sld [smem:$0x3FB0]  }
0x2a: {  	p0 =	seq.s32 s5, $0x0;
	s5 =	sld [smem:$0x3FB1]  }
0x2b: {  	s6 =	sld [smem:$0x3FB2]  }
0x2c: {  	s7 =	sld [smem:$0x3FB3]  }
0x2d: {  	s3 =	simm.s32 $0x108;
	s8 =	sld [smem:$0x3FB4]  }
0x2e: {  	s3 =	simm.s32 @!p0 $0x1082;
	s9 =	sld [smem:$0x3FB5]  }
0x2f: {  	lr =	sadd.s32 s0, s3;
	s0 =	sld [smem:$0x3FAC]  }
0x30: {  	s3 =	sld [smem:$0x3FAF]  }
0x31: {  	[smem:$0x3FB8] =	sst s10  }
0x32: {  	s10 =	sld [smem:$0x3FB6];
	_ =	sdelay $0x3  }
0x33: {  	p0 =	seq.s32 s10, $0x1;
	s10 =	sld [smem:$0x3FB8];
	_ =	sdelay $0x3  }
0x34: {  	[smem:$0x3FB8] =	sst s10  }
0x35: {  	s10 =	sld [smem:$0x3FB7];
	_ =	sdelay $0x3  }
0x36: {  	p1 =	seq.s32 s10, $0x1;
	s10 =	sld [smem:$0x3FB8];
	_ =	sdelay $0x3  }
0x37: {  	[smem:$0x3FB8] =	sst s10  }
0x38: {  	s10 =	sld [smem:$0x3FB9]  }
0x39: {  	_ = 	snop;
	(pc) =	sbr.ind lr, $3  }
0x3a: {  	_ = 	snop  }
0x3b: {  	_ = 	snop  }
0x3c: {  	p2 =	seq.s32 s10, $0x1;
	s10 =	sld [smem:$0x3FB8]  }
0x3d: {  	_ =	shalt  }
0x3e: {  	_ =	shalt  }
0x3f: {  	_ =	shalt  }
0x40: {  	_ =	shalt  }
0x41: {  	_ =	shalt  }
0x42: {  	_ =	shalt  }
0x43: {  	_ =	shalt  }
0x44: {  	_ =	shalt  }
0x45: {  	_ =	shalt  }
0x46: {  	_ =	shalt  }
0x47: {  	_ =	shalt  }
0x48: {  	_ =	shalt  }
0x49: {  	_ =	shalt  }
0x4a: {  	_ =	shalt  }
0x4b: {  	_ =	shalt  }
0x4c: {  	_ =	shalt  }
0x4d: {  	_ =	shalt  }
0x4e: {  	_ =	shalt  }
0x4f: {  	_ =	shalt  }
0x50: {  	_ =	shalt  }
0x51: {  	_ =	shalt  }
0x52: {  	_ =	shalt  }
0x53: {  	_ =	shalt  }
0x54: {  	_ =	shalt  }
0x55: {  	_ =	shalt  }
0x56: {  	_ =	shalt  }
0x57: {  	_ =	shalt  }
0x58: {  	_ =	shalt  }
0x59: {  	_ =	shalt  }
0x5a: {  	_ =	shalt  }
0x5b: {  	_ =	shalt  }
0x5c: {  	_ =	shalt  }
0x5d: {  	_ =	shalt  }
0x5e: {  	_ =	shalt  }
0x5f: {  	_ =	shalt  }
0x60: {  	_ =	shalt  }
0x61: {  	_ =	shalt  }
0x62: {  	_ =	shalt  }
0x63: {  	_ =	shalt  }
0x64: {  	_ =	shalt  }
0x65: {  	_ =	shalt  }
0x66: {  	_ =	shalt  }
0x67: {  	_ =	shalt  }
0x68: {  	_ =	shalt  }
0x69: {  	_ =	shalt  }
0x6a: {  	_ =	shalt  }
0x6b: {  	_ =	shalt  }
0x6c: {  	_ =	shalt  }
0x6d: {  	_ =	shalt  }
0x6e: {  	_ =	shalt  }
0x6f: {  	_ =	shalt  }
0x70: {  	_ =	shalt  }
0x71: {  	_ =	shalt  }
0x72: {  	_ =	shalt  }
0x73: {  	_ =	shalt  }
0x74: {  	_ =	shalt  }
0x75: {  	_ =	shalt  }
0x76: {  	_ =	shalt  }
0x77: {  	_ =	shalt  }
0x78: {  	_ =	shalt  }
0x79: {  	_ =	shalt  }
0x7a: {  	_ =	shalt  }
0x7b: {  	_ =	shalt  }
0x7c: {  	_ =	shalt  }
0x7d: {  	_ =	shalt  }
0x7e: {  	_ =	shalt  }
0x7f: {  	_ =	shalt  }
0x80: {  	_ =	shalt  }
0x81: {  	_ =	shalt  }
0x82: {  	_ =	shalt  }
0x83: {  	_ =	shalt  }
0x84: {  	_ =	shalt  }
0x85: {  	_ =	shalt  }
0x86: {  	_ =	shalt  }
0x87: {  	_ =	shalt  }
.Lfunc_end0:
.L_simem_size_0:
called_computation_lowered:
.L_overlay_start_0:
0x88: {  	s2 =	sld [smem:$0x3FD9]  }
0x89: {  	s3 =	sld [smem:$0x3FFE];
	_ =	sdelay $0x1  }
0x8a: {  	s1 =	srdreg.scid  }
0x8b: {  	s0 =	sand.u32 $0x1, s1  }
0x8c: {  	s17 =	sshll.u32 s0, $0xA;
	s2 =	sadd.s32 s3, s2  }
0x8d: {  	s2 =	sadd.s32 s2, s17  }
0x8e: {  	[smem:$0x3FC4] =	sst s2  }
0x8f: {  	_ = 	snop  }
0x90: {  	s2 =	sld [smem:$0x3FD0];
	(tm) =	ssettm $0x1  }
0x91: {  	s18 =	sld [smem:$0x3FFB];
	_ =	sdelay $0x3  }
0x92: {  	_ =	strace s18  }
0x93: {  	s3 =	sld [smem:$0x3FFC];
	_ =	sdelay $0x3  }
0x94: {  	_ =	strace s3  }
0x95: {  	s3 =	sld [smem:$0x3FFD];
	_ =	sdelay $0x3  }
0x96: {  	_ =	strace s3  }
0x97: {  	_ =	strace $0x8FFFFFFF  }
0x98: {  	s19 =	sld [smem:$0x3FDB];
	_ =	sdelay $0x1  }
0x99: {  	s4 =	simm.s32 $_scs_section_size  }
0x9a: {  	s5 =	simm.s32 $_size__tile_overlayer_lowered;
	s6 =	simm.s32 $_tile_overlayer_lowered  }
0x9b: {  	s22 =	simm.s32 $0x1BFF;
	s21 =	sshll.u32 s6, $0x1;
	s3 =	sadd.s32 s4, s19  }
0x9c: {  	s7 =	simm.s32 $0x0;
	s20 =	sshll.u32 s5, $0x1;
	s5 =	sadd.s32 s21, s3  }
0x9d: {  	[timem:s7], [sflag:s22] =	dma.local [hbm:s5], s20  }
0x9e: {  	_ =	swait.ge [sflag:s22], s20  }
0x9f: {  	s4 =	ssub.s32 $0x0, s20;
	[sflag:s22] =	ssyncset.done $0x0  }
0xa0: {  	[sflag:s22] =	ssyncadd.s32 s4;
	_ =	sdelay $0x1  }
0xa1: {  	s23 =	simm.s32 $0x1B8B  }
0xa2: {  	_ =	swait.ge [sflag:s23], $0x1  }
0xa3: {  	[sflag:s23] =	ssyncset.done $0x0  }
0xa4: {  	s25 =	simm.s32 $0x1B8E;
	s24 =	sld [smem:$0x3FFE];
	[sflag:s23] =	ssyncadd.s32 $0xFFFFFFFF  }
0xa5: {  	s26 =	simm.s32 $execute0_lowered;
	[smem:$0x3FD2] =	sst s25  }
0xa6: {  	s5 =	sshll.u32 s26, $0x1;
	_ =	strace $0x80000046;
	[dreg:$0x1] =	wrdreg $0xFFFFFFFF  }
0xa7: {  	s28 =	simm.s32 $_size_execute0_lowered;
	s3 =	sadd.s32 s3, s5;
	[dreg:$0x0] =	wrdreg $0x0  }
0xa8: {  	s5 =	sshll.u32 s28, $0x1;
	[dreg:$0x2] =	wrdreg s3  }
0xa9: {  	[dreg:$0x3] =	wrdreg s5  }
0xaa: {  	[dreg:$0x4] =	wrdreg $0xC0  }
0xab: {  	_ =	task [dreg:s7], $0x5FFFF  }
0xac: {  	[dreg:$0x1] =	wrdreg $0xFFFFFFFF  }
0xad: {  	[dreg:$0x0] =	wrdreg $0x60  }
0xae: {  	[dreg:$0x2] =	wrdreg s24  }
0xaf: {  	[dreg:$0x3] =	wrdreg s2  }
0xb0: {  	[dreg:$0x4] =	wrdreg $0x90000  }
0xb1: {  	[dreg:$0x5] =	wrdreg $0x9  }
0xb2: {  	_ =	task.clear_ibuf [dreg:s7], $0x6FFFF;
	_ =	strace $0x90000046  }
0xb3: {  	s29 =	simm.s32 $0x9;
	_ =	strace $0x80000048  }
0xb4: {  	_ =	swait.ge [sflag:s29], $0x1  }
0xb5: {  	[sflag:s29] =	ssyncadd.s32 $0xFFFFFFFF  }
0xb6: {  	_ =	strace $0x90000048  }
0xb7: {  	_ =	sfence  }
0xb8: {  	s30 =	sld [smem:$0x0];
	_ =	sdelay $0x2  }
0xb9: {  	s31 =	sshll.u32 s1, $0xD;
	s1 =	sshrl.u32 s1, $0x2  }
0xba: {  	s3 =	sand.u32 $0x4000, s31;
	s1 =	sadd.s32 s1, s30  }
0xbb: {  	s0 =	sor.u32 s3, s0;
	s1 =	sshll.u32 s1, $0x11  }
0xbc: {  	s0 =	sor.u32 s1, s0  }
0xbd: {  	s0 =	sadd.s32 $0x8F2B, s0  }
0xbe: {  	[sflag:s0] =	ssyncadd.remote.s32 $0x1  }
0xbf: {  	_ =	sfence.sel $0xFFFF  }
0xc0: {  	[dreg:$0x0] =	wrdreg $0xFFFFFFFF;
	(pc) =	sbr.abs _section_cstart, $3  }
0xc1: {  	[dreg:$0x1] =	wrdreg $0xFFFFFFFF  }
0xc2: {  	_ =	task.clear_ibuf [dreg:s7], $0x2FFFF;
	_ =	strace $0x9FFFFFFF  }
0xc3: {  	(tm) =	ssettm $0x7FFFFFFF  }
tec
execute0_lowered:
.L_overlay_start_1:
0x0: {  	(tag) =	ssettag $0x1  }
0x1: {  	s0 =	stileid.u32  }
0x2: {  	s5 =	smul.u32 $0xC800, s0  }
0x3: {  	s1 =	srdreg.scid;
	s20 =	smul.u32 $0x19000, s0  }
0x4: {  	s7 =	sand.u32 $0x1, s1;
	s24 =	smul.u32 $0x6400, s0  }
0x5: {  	s8 =	smul.u32 $0x6400, s7  }
0x6: {  	s9 =	sor.u32 $0x10, s0;
	s12 =	smul.u32 $0x138800, s7  }
0x7: {  	s6 =	rddreg [dreg:$0x0];
	s13 =	sor.u32 $0x20, s0;
	s11 =	smul.u32 $0x19000, s9  }
0x8: {  	s2 =	rddreg [dreg:$0x1];
	s16 =	sor.u32 $0x30, s0;
	s21 =	smul.u32 $0x19000, s13  }
0x9: {  	s3 =	rddreg [dreg:$0x2];
	s17 =	smul.u32 $0x19000, s16  }
0xa: {  	s4 =	simm.s32 $0x0;
	s1 =	rddreg [dreg:$0x3];
	s18 =	smul.u32 $0x6400, s9  }
0xb: {  	[smem:$0x7FF] =	sst s4;
	s14 =	sadd.s32 $0x1B000, s6;
	s13 =	smul.u32 $0x6400, s13  }
0xc: {  	_ =	strace $0x80000047;
	s7 =	ssub.s32 $0x2, s7;
	s19 =	smul.u32 $0x6400, s16  }
0xd: {  	p0 =	sgt.u32 s16, $0x31;
	s16 =	simm.s32 $0x400;
	s10 =	sshrl.u32 s7, $0x1  }
0xe: {  	s22 =	sshrl.u32 s20, $0x2;
	s20 =	simm.s32 $0x80;
	s5 =	sadd.s32 s8, s5  }
0xf: {  	s7 =	ssub.s32 s7, s10;
	s23 =	sshrl.u32 s11, $0x2;
	s25 =	sshrl.u32 s21, $0x2  }
0x10: {  	s26 =	sadd.s32 s12, s24;
	s28 =	sshrl.u32 s17, $0x2;
	s30 =	sadd.s32 s12, s18  }
0x11: {  	s13 =	sadd.s32 s12, s13;
	s12 =	sadd.s32 s12, s19;
	s18 =	simm.s32 $0x2C00  }
0x12: {  	s19 =	simm.s32 $0x50;
	s21 =	simm.s32 $0x100;
	s24 =	simm.s32 $0x1  }
0x13: {  	s5 =	sshrl.u32 s5, $0x3;
	s8 =	sadd.s32 s23, s3;
	s29 =	sshrl.u32 s26, $0x3  }
0x14: {  	s9 =	sadd.s32 s25, s3;
	s10 =	sadd.s32 s28, s3;
	s17 =	sshrl.u32 s30, $0x3  }
0x15: {  	s13 =	sshrl.u32 s13, $0x3;
	s31 =	sshrl.u32 s12, $0x3;
	s23 =	simm.s32 $0x200  }
0x16: {  	s25 =	simm.s32 $0x0;
	s15 =	sadd.s32 s5, s6;
	s5 =	sadd.s32 $0x1AA00, s6  }
0x17: {  	s6 =	smax.u32 s7, $0x1;
	s7 =	sadd.s32 s22, s3;
	s11 =	sadd.s32 s14, s29  }
0x18: {  	s12 =	sadd.s32 s14, s17;
	s13 =	sadd.s32 s14, s13;
	s14 =	sadd.s32 s14, s31  }
0x19: {  	s17 =	simm.s32 $0x2;
	s22 =	simm.s32 $0x180;
	s15 =	sadd.s32 $0x1A00, s15  }
.LBB2_1:
0x1a: {  	[tilespmem:s16], [sflag:$0x2] =	stream.linear.gather [hbm4b:s5+s4], $0x2800, $0x38;
	[tilespmem:$0x1C880] =	vst v63  }
0x1b: {  	_ =	swait.ge [sflag:s17], $0x2800  }
0x1c: {  	[sflag:s17] =	ssyncset.done $0x0  }
0x1d: {  	[sflag:s17] =	ssyncadd.s32 $0xFFFFD800  }
0x1e: {  	[tilespmem:s18], [sflag:$0x2] =	stream.linear.gather [hbm4b:s2+s4], $0x6400, $0x38;
	[tilespmem:$0x1C880] =	vst v63  }
0x1f: {  	_ =	swait.ge [sflag:s17], $0x6400  }
0x20: {  	[sflag:s17] =	ssyncset.done $0x0  }
0x21: {  	[sflag:s17] =	ssyncadd.s32 $0xFFFF9C00  }
0x22: {  	[spmem:s7] =	stream.linear.scatter [tilespmem:s18], [sflag:$0x2], $0x6400, $0x38;
	[tilespmem:$0x1C880] =	vst v63  }
0x23: {  	_ =	swait.ge [sflag:s17], $0x6400  }
0x24: {  	[sflag:s17] =	ssyncset.done $0x0  }
0x25: {  	[sflag:s17] =	ssyncadd.s32 $0xFFFF9C00  }
0x26: {  	[spmem:s8] =	stream.linear.scatter [tilespmem:s18], [sflag:$0x2], $0x6400, $0x38;
	[tilespmem:$0x1C880] =	vst v63  }
0x27: {  	_ =	swait.ge [sflag:s17], $0x6400  }
0x28: {  	[sflag:s17] =	ssyncset.done $0x0  }
0x29: {  	[sflag:s17] =	ssyncadd.s32 $0xFFFF9C00  }
0x2a: {  	[spmem:s9] =	stream.linear.scatter [tilespmem:s18], [sflag:$0x2], $0x6400, $0x38;
	[tilespmem:$0x1C880] =	vst v63  }
0x2b: {  	_ =	swait.ge [sflag:s17], $0x6400  }
0x2c: {  	[sflag:s17] =	ssyncset.done $0x0  }
0x2d: {  	s26 =	simm.s32 @!p0 $0x2C00;
	[sflag:s17] =	ssyncadd.s32 $0xFFFF9C00  }
0x2e: {  	[spmem:s10] =	stream.linear.scatter @!p0 [tilespmem:s26], [sflag:$0x2], $0x6400, $0x38;
	[tilespmem:$0x1C880] =	vst v63  }
0x2f: {  	s26 =	simm.s32 @!p0 $0x2  }
0x30: {  	_ =	swait.ge @!p0 [sflag:s26], $0x6400  }
0x31: {  	[sflag:s26] =	ssyncset.done @!p0 $0x0  }
0x32: {  	[sflag:s26] =	ssyncadd.s32 @!p0 $0xFFFF9C00  }
0x33: {  	s31 =	sadd.s32 $0x0, s15;
	[bflag:$0x0] =	sbarrier.arrive $0xFFFF  }
0x34: {  	[tilespmem:s4], [sflag:$0x2] =	stream.linear.gather [hbm4b:s31+s4], $0x280, $0x38;
	[tilespmem:$0x1C880] =	vst v63  }
0x35: {  	_ =	swait.ge [sflag:s17], $0x280  }
0x36: {  	[sflag:s17] =	ssyncset.done $0x0  }
0x37: {  	[sflag:s17] =	ssyncadd.s32 $0xFFFFFD80  }
0x38: {  	[spmem:s3] =	stream.indirect.scatter.add.f32 [tilespmem:s16], [sflag:$0x1], $0x80, s4, s19, $0xb8;
	[tilespmem:$0x1C880] =	vst v63  }
0x39: {  	_ = 	snop  }
0x3a: {  	[spmem:s3] =	stream.indirect.scatter.add.f32 [tilespmem:s16], [sflag:$0x1], $0x80, s20, s19, $0xb8;
	[tilespmem:$0x1C880] =	vst v63  }
0x3b: {  	_ = 	snop  }
0x3c: {  	[spmem:s3] =	stream.indirect.scatter.add.f32 [tilespmem:s16], [sflag:$0x1], $0x80, s21, s19, $0xb8;
	[tilespmem:$0x1C880] =	vst v63  }
0x3d: {  	_ = 	snop  }
0x3e: {  	[spmem:s3] =	stream.indirect.scatter.add.f32 [tilespmem:s16], [sflag:$0x1], $0x80, s22, s19, $0xb8;
	[tilespmem:$0x1C880] =	vst v63  }
0x3f: {  	_ = 	snop  }
0x40: {  	[spmem:s3] =	stream.indirect.scatter.add.f32 [tilespmem:s16], [sflag:$0x1], $0x80, s23, s19, $0xb8;
	[tilespmem:$0x1C880] =	vst v63  }
0x41: {  	_ =	swait.ge [sflag:s24], $0x2800  }
0x42: {  	[sflag:s24] =	ssyncset.done $0x0  }
0x43: {  	[sflag:s24] =	ssyncadd.s32 $0xFFFFD800  }
0x44: {  	_ =	swait.ge [sflag:s24], $0x2800  }
0x45: {  	[sflag:s24] =	ssyncset.done $0x0  }
0x46: {  	[sflag:s24] =	ssyncadd.s32 $0xFFFFD800  }
0x47: {  	_ =	swait.ge [sflag:s24], $0x2800  }
0x48: {  	[sflag:s24] =	ssyncset.done $0x0  }
0x49: {  	[sflag:s24] =	ssyncadd.s32 $0xFFFFD800  }
0x4a: {  	_ =	swait.ge [sflag:s24], $0x2800  }
0x4b: {  	[sflag:s24] =	ssyncset.done $0x0  }
0x4c: {  	[sflag:s24] =	ssyncadd.s32 $0xFFFFD800  }
0x4d: {  	_ =	swait.ge [sflag:s24], $0x2800  }
0x4e: {  	s28 =	simm.s32 $0x100;
	s26 =	simm.s32 $0x80;
	[sflag:s24] =	ssyncset.done $0x0  }
.LBB2_2:
0x4f: {  	s29 =	sadd.s32 s26, s15  }
0x50: {  	[sflag:s24] =	ssyncadd.s32 $0xFFFFD800;
	s26 =	smov.u32 s28;
	s30 =	sadd.s32 $0x80, s28  }
0x51: {  	[tilespmem:s4], [sflag:$0x2] =	stream.linear.gather [hbm4b:s29+s4], $0x280, $0x38;
	[tilespmem:$0x1C880] =	vst v63  }
0x52: {  	p1 =	sne.s32 s28, $0xC00;
	_ =	swait.ge [sflag:s17], $0x280  }
0x53: {  	[sflag:s17] =	ssyncset.done $0x0  }
0x54: {  	[sflag:s17] =	ssyncadd.s32 $0xFFFFFD80  }
0x55: {  	[spmem:s3] =	stream.indirect.scatter.add.f32 [tilespmem:s16], [sflag:$0x1], $0x80, s4, s19, $0xb8;
	[tilespmem:$0x1C880] =	vst v63  }
0x56: {  	_ = 	snop  }
0x57: {  	[spmem:s3] =	stream.indirect.scatter.add.f32 [tilespmem:s16], [sflag:$0x1], $0x80, s20, s19, $0xb8;
	[tilespmem:$0x1C880] =	vst v63  }
0x58: {  	_ = 	snop  }
0x59: {  	[spmem:s3] =	stream.indirect.scatter.add.f32 [tilespmem:s16], [sflag:$0x1], $0x80, s21, s19, $0xb8;
	[tilespmem:$0x1C880] =	vst v63  }
0x5a: {  	_ = 	snop  }
0x5b: {  	[spmem:s3] =	stream.indirect.scatter.add.f32 [tilespmem:s16], [sflag:$0x1], $0x80, s22, s19, $0xb8;
	[tilespmem:$0x1C880] =	vst v63  }
0x5c: {  	_ = 	snop  }
0x5d: {  	[spmem:s3] =	stream.indirect.scatter.add.f32 [tilespmem:s16], [sflag:$0x1], $0x80, s23, s19, $0xb8;
	[tilespmem:$0x1C880] =	vst v63  }
0x5e: {  	_ =	swait.ge [sflag:s24], $0x2800  }
0x5f: {  	[sflag:s24] =	ssyncset.done $0x0  }
0x60: {  	[sflag:s24] =	ssyncadd.s32 $0xFFFFD800  }
0x61: {  	_ =	swait.ge [sflag:s24], $0x2800  }
0x62: {  	[sflag:s24] =	ssyncset.done $0x0  }
0x63: {  	[sflag:s24] =	ssyncadd.s32 $0xFFFFD800  }
0x64: {  	_ =	swait.ge [sflag:s24], $0x2800  }
0x65: {  	[sflag:s24] =	ssyncset.done $0x0  }
0x66: {  	[sflag:s24] =	ssyncadd.s32 $0xFFFFD800  }
.Ltmp0:
0x67: {  	_ =	swait.ge [sflag:s24], $0x2800;
	(pc) =	sbr.rel @p1 .LBB2_2-.Ltmp0, $4  }
0x68: {  	[sflag:s24] =	ssyncset.done $0x0  }
0x69: {  	[sflag:s24] =	ssyncadd.s32 $0xFFFFD800  }
0x6a: {  	_ =	swait.ge [sflag:s24], $0x2800  }
0x6b: {  	s28 =	smov.u32 s30;
	[sflag:s24] =	ssyncset.done $0x0  }
0x6c: {  	s26 =	sadd.s32 s26, s15;
	[sflag:s24] =	ssyncadd.s32 $0xFFFFD800  }
0x6d: {  	[tilespmem:s4], [sflag:$0x2] =	stream.linear.gather [hbm4b:s26+s4], $0x280, $0x38;
	[tilespmem:$0x1C880] =	vst v63  }
0x6e: {  	_ =	swait.ge [sflag:s17], $0x280  }
0x6f: {  	[sflag:s17] =	ssyncset.done $0x0  }
0x70: {  	[sflag:s17] =	ssyncadd.s32 $0xFFFFFD80  }
0x71: {  	[spmem:s3] =	stream.indirect.scatter.add.f32 [tilespmem:s16], [sflag:$0x1], $0x80, s4, s19, $0xb8;
	[tilespmem:$0x1C880] =	vst v63  }
0x72: {  	_ = 	snop  }
0x73: {  	[spmem:s3] =	stream.indirect.scatter.add.f32 [tilespmem:s16], [sflag:$0x1], $0x80, s20, s19, $0xb8;
	[tilespmem:$0x1C880] =	vst v63  }
0x74: {  	_ = 	snop  }
0x75: {  	[spmem:s3] =	stream.indirect.scatter.add.f32 [tilespmem:s16], [sflag:$0x1], $0x80, s21, s19, $0xb8;
	[tilespmem:$0x1C880] =	vst v63  }
0x76: {  	_ = 	snop  }
0x77: {  	[spmem:s3] =	stream.indirect.scatter.add.f32 [tilespmem:s16], [sflag:$0x1], $0x80, s22, s19, $0xb8;
	[tilespmem:$0x1C880] =	vst v63  }
0x78: {  	_ = 	snop  }
0x79: {  	[spmem:s3] =	stream.indirect.scatter.add.f32 [tilespmem:s16], [sflag:$0x1], $0x80, s23, s19, $0xb8;
	[tilespmem:$0x1C880] =	vst v63  }
0x7a: {  	_ =	swait.ge [sflag:s24], $0x2800  }
0x7b: {  	[sflag:s24] =	ssyncset.done $0x0  }
0x7c: {  	[sflag:s24] =	ssyncadd.s32 $0xFFFFD800  }
0x7d: {  	_ =	swait.ge [sflag:s24], $0x2800  }
0x7e: {  	[sflag:s24] =	ssyncset.done $0x0  }
0x7f: {  	[sflag:s24] =	ssyncadd.s32 $0xFFFFD800  }
0x80: {  	_ =	swait.ge [sflag:s24], $0x2800  }
0x81: {  	[sflag:s24] =	ssyncset.done $0x0  }
0x82: {  	[sflag:s24] =	ssyncadd.s32 $0xFFFFD800  }
0x83: {  	_ =	swait.ge [sflag:s24], $0x2800  }
0x84: {  	[sflag:s24] =	ssyncset.done $0x0  }
0x85: {  	[sflag:s24] =	ssyncadd.s32 $0xFFFFD800  }
0x86: {  	_ =	swait.ge [sflag:s24], $0x2800  }
0x87: {  	[sflag:s24] =	ssyncset.done $0x0  }
0x88: {  	s29 =	sshll.u32 s0, $0x6;
	[sflag:s24] =	ssyncadd.s32 $0xFFFFD800  }
0x89: {  	s28 =	sshrl.u32 s7, $0x3;
	s26 =	sor.u32 $0x1C02, s29;
	[bflag:$0x0] =	sbarrier.arrive $0xFFFF  }
0x8a: {  	[hbm:s11], [sflag:s26] =	dma.local [spmem:s28], $0xC80  }
0x8b: {  	_ =	swait.ge [sflag:s17], $0xC80  }
0x8c: {  	[sflag:s17] =	ssyncset.done $0x0  }
0x8d: {  	s30 =	sshrl.u32 s8, $0x3;
	[sflag:s17] =	ssyncadd.s32 $0xFFFFF380  }
0x8e: {  	[hbm:s12], [sflag:s26] =	dma.local [spmem:s30], $0xC80  }
0x8f: {  	_ =	swait.ge [sflag:s17], $0xC80  }
0x90: {  	[sflag:s17] =	ssyncset.done $0x0  }
0x91: {  	s31 =	sshrl.u32 s9, $0x3;
	[sflag:s17] =	ssyncadd.s32 $0xFFFFF380  }
0x92: {  	[hbm:s13], [sflag:s26] =	dma.local [spmem:s31], $0xC80  }
0x93: {  	_ =	swait.ge [sflag:s17], $0xC80  }
0x94: {  	s25 =	sadd.s32 $0x1, s25;
	[sflag:s17] =	ssyncset.done $0x0  }
0x95: {  	p1 =	sne.s32 s25, s6;
	s28 =	sshrl.u32 @!p0 s10, $0x3;
	[sflag:s17] =	ssyncadd.s32 $0xFFFFF380  }
0x96: {  	[hbm:s14], [sflag:s26] =	dma.local @!p0 [spmem:s28], $0xC80  }
.Ltmp1:
0x97: {  	_ = 	snop;
	(pc) =	sbr.rel @p1 .LBB2_1-.Ltmp1, $4  }
0x98: {  	s26 =	simm.s32 @!p0 $0x2  }
0x99: {  	_ =	swait.ge @!p0 [sflag:s26], $0xC80  }
0x9a: {  	[sflag:s26] =	ssyncset.done @!p0 $0x0  }
0x9b: {  	[sflag:s26] =	ssyncadd.s32 @!p0 $0xFFFFF380  }
0x9c: {  	_ =	sfence.sel $0x180000  }
0x9d: {  	[bflag:$0x0] =	sbarrier.arrive $0xFFFF  }
0x9e: {  	p0 =	sne.s32 s0, $0x0;
	_ =	strace $0x90000047  }
0x9f: {  	s0 =	sadd.s32 @!p0 $0x100000, s1;
	[bflag:$0x2] =	sbarrier.arrive $0xFFFF  }
0xa0: {  	[sflag:s0] =	ssyncadd.tile.s32 @!p0 $0x1;
	_ =	shalt  }
.Lfunc_end2:
_tile_overlayer_lowered:
.L_overlay_start_2:
0xa1: {  	(tag) =	ssettag $0x2  }
0xa2: {  	s0 =	rddreg [dreg:$0x0];
	s2 =	stileid.u32  }
0xa3: {  	s1 =	rddreg [dreg:$0x1];
	p0 =	sne.s32 s2, $0x0  }
0xa4: {  	s3 =	rddreg [dreg:$0x2];
	[bflag:$0x3] =	sbarrier.arrive $0xFFFF;
	s2 =	simm.s32 @!p0 $0x1C02  }
0xa5: {  	[timem:s3], [sflag:s2] =	dma.local @!p0 [hbm:s0], s1  }
0xa6: {  	s0 =	simm.s32 @!p0 $0x2  }
0xa7: {  	_ =	swait.ge @!p0 [sflag:s0], s1  }
0xa8: {  	s1 =	ssub.s32 @!p0 $0x0, s1;
	[sflag:s0] =	ssyncset.done @!p0 $0x0  }
0xa9: {  	[sflag:s0] =	ssyncadd.s32 @!p0 s1  }
0xaa: {  	[bflag:$0x3] =	sbarrier.arrive $0xFFFF  }
0xab: {  	_ =	shalt  }

</sc_bundles>
